<compile_context>
chip_gen: v7x
topology: tpu7x:2x2x1
jax: 0.10.2.dev20260603
libtpu: 0.0.44.dev20260713+nightly
codegen_flags: <defaults>
</compile_context>

<pallas_src>
import functools

import jax
import jax.numpy as jnp
from jax import lax
from jax.experimental import pallas as pl
from jax.experimental.pallas import tpu as pltpu
from jax.experimental.pallas import tpu_sc as plsc

NE_ = 8192
D_ = 256
B_ = 8
T_ = 1024
BETA_ = 0.25

BN_ = 512
NB_ = NE_ // BN_


def _argmin_body(z_ref, emb_ref, idx_ref, e2_ref, es_ref):
    @pl.when(pl.program_id(0) == 0)
    def _():
        es_ref[...] = emb_ref[...] * jnp.float32(-2.0)
        for n in range(NB_):
            es = es_ref[n * BN_:(n + 1) * BN_, :]
            e2_ref[:, n:n + 1] = 0.25 * jnp.sum(es * es, axis=1, keepdims=True)

    zb = z_ref[0]
    best = None
    besti = None
    for n in range(NB_):
        es = es_ref[n * BN_:(n + 1) * BN_, :]
        d = e2_ref[:, n:n + 1] + jnp.dot(es, zb, preferred_element_type=jnp.float32)
        lmin = jnp.min(d, axis=0, keepdims=True)
        larg = (jnp.argmin(d, axis=0).astype(jnp.float32)
                + jnp.float32(n * BN_))[None, :]
        if n == 0:
            best, besti = lmin, larg
        else:
            take = lmin < best
            besti = jnp.where(take, larg, besti)
            best = jnp.where(take, lmin, best)
    idx_ref[0] = besti.astype(jnp.int32)


def _argmin_call(zr, emb):
    return pl.pallas_call(
        _argmin_body,
        grid=(B_,),
        in_specs=[
            pl.BlockSpec((1, D_, T_), lambda b: (b, 0, 0)),
            pl.BlockSpec((NE_, D_), lambda b: (0, 0)),
        ],
        out_specs=pl.BlockSpec((1, 1, T_), lambda b: (b, 0, 0)),
        out_shape=jax.ShapeDtypeStruct((B_, 1, T_), jnp.int32),
        scratch_shapes=[
            pltpu.VMEM((BN_, NB_), jnp.float32),
            pltpu.VMEM((NE_, D_), jnp.float32),
        ],
    )(zr, emb)


def _finish_body(zq_ref, z_ref, out_ref, loss_ref):
    b = pl.program_id(0)
    zqt = zq_ref[0].T
    zb = z_ref[0]
    dif = zqt - zb
    out_ref[0] = zb + dif
    s = jnp.sum(dif * dif).reshape(1, 1)

    @pl.when(b == 0)
    def _():
        loss_ref[...] = s

    @pl.when(b > 0)
    def _():
        loss_ref[...] += s


def _finish_call(zq, zr):
    return pl.pallas_call(
        _finish_body,
        grid=(B_,),
        in_specs=[
            pl.BlockSpec((1, T_, D_), lambda b: (b, 0, 0)),
            pl.BlockSpec((1, D_, T_), lambda b: (b, 0, 0)),
        ],
        out_specs=[
            pl.BlockSpec((1, D_, T_), lambda b: (b, 0, 0)),
            pl.BlockSpec((1, 1), lambda b: (0, 0)),
        ],
        out_shape=[
            jax.ShapeDtypeStruct((B_, D_, T_), jnp.float32),
            jax.ShapeDtypeStruct((1, 1), jnp.float32),
        ],
    )(zq, zr)


_NC = 2
_NS = 16
_NW = _NC * _NS
_TT = B_ * T_
_BPW = _TT // _NW
_CH = 128
_NCH = _BPW // _CH


def _gather_call(emb, idx2):
    mesh = plsc.VectorSubcoreMesh(core_axis_name="c", subcore_axis_name="s")

    @functools.partial(
        pl.kernel,
        mesh=mesh,
        out_type=jax.ShapeDtypeStruct((_TT, D_), jnp.float32),
        scratch_types=[
            pltpu.VMEM((_NCH, _CH), jnp.int32),
            pltpu.VMEM((_BPW, D_), jnp.float32),
            pltpu.SemaphoreType.DMA,
        ],
    )
    def gather_k(emb_hbm, idx_hbm, out_hbm, idx_v, rows_v, sem):
        wid = lax.axis_index("s") * _NC + lax.axis_index("c")
        pltpu.sync_copy(idx_hbm.at[pl.ds(wid * _NCH, _NCH)], idx_v)
        cps = [
            pltpu.async_copy(emb_hbm.at[idx_v.at[j]],
                             rows_v.at[pl.ds(j * _CH, _CH)], sem)
            for j in range(_NCH)
        ]
        for cp in cps:
            cp.wait()
        pltpu.sync_copy(rows_v, out_hbm.at[pl.ds(wid * _BPW, _BPW)])

    return gather_k(emb, idx2)


def kernel(z, emb):
    zr = z.reshape(B_, D_, T_)
    idx3 = _argmin_call(zr, emb)
    zq = _gather_call(emb, idx3.reshape(_NW * _NCH, _CH))
    zqt, loss_sum = _finish_call(zq.reshape(B_, T_, D_), zr)
    z_q_out = zqt.reshape(B_, D_, 32, 32)
    index = idx3.reshape(B_, 32, 32)
    loss = loss_sum[0, 0] * ((1.0 + BETA_) / (B_ * T_ * D_))
    return z_q_out, index, loss

# --- scband reference (transcript-rebuilt; emitter-appended) ---
"""Pipeline reference for scband-vector-quantizer-56444460204638 (READ-ONLY COPY).

The authoritative reference and input builder live on the scoring server;
editing this copy changes nothing except your own understanding.
"""

import jax, jax.numpy as jnp
import numpy as np

NE = 8192
D = 256
BETA = 0.25

def setup_inputs(seed: int = 0) -> dict:
    key = jax.random.key(seed)
    k1, k2 = jax.random.split(key)
    z = jax.random.normal(k1, (8, 256, 32, 32), dtype=jnp.float32)
    emb = jax.random.uniform(k2, (NE, D), dtype=jnp.float32, minval=-1.0 / NE, maxval=1.0 / NE)
    return {"z": z, "emb": emb}

def reference(z, emb):
    # channel_last: [B, C, H, W] -> [B, H, W, C]
    zl = jnp.transpose(z, (0, 2, 3, 1))
    # d = ||e||^2 - 2 * z . e  (the ||z||^2 term is constant per-token for argmin)
    d = jnp.sum(emb ** 2, axis=1) - 2.0 * jnp.einsum('bhwc,nc->bhwn', zl, emb)
    index = jnp.argmin(d, axis=-1)
    z_q = jnp.take(emb, index, axis=0)
    loss = jnp.mean((jax.lax.stop_gradient(z_q) - zl) ** 2) + BETA * jnp.mean((z_q - jax.lax.stop_gradient(zl)) ** 2)
    # straight-through estimator
    z_q_st = zl + jax.lax.stop_gradient(z_q - zl)
    # channel_first: [B, H, W, C] -> [B, C, H, W]
    z_q_out = jnp.transpose(z_q_st, (0, 3, 1, 2))
    return z_q_out, index, loss

if __name__ == "__main__":
    import jax
    _d = setup_inputs()
    print(jax.jit(kernel)(*tuple(_d.values())))

</pallas_src>

<mosaic_0001>
#map = affine_map<(d0, d1) -> (0, 0)>
module attributes {stable_mosaic.version = 14 : i64} {
  func.func @gather_k(%arg0: i32, %arg1: i32, %arg2: memref<8192x256xf32, #tpu.memory_space<hbm>>, %arg3: memref<64x128xi32, #tpu.memory_space<hbm>>, %arg4: memref<8192x256xf32, #tpu.memory_space<hbm>>, %arg5: memref<2x128xi32, #tpu.memory_space<vmem>>, %arg6: memref<256x256xf32, #tpu.memory_space<vmem>>, %arg7: memref<!tpu.dma_semaphore, #tpu.memory_space<semaphore_mem>>) attributes {dimension_semantics = [#tpu.dimension_semantics<core_parallel>, #tpu.dimension_semantics<subcore_parallel>], iteration_bounds = array<i64: 2, 16>, scalar_prefetch = 0 : i64, scratch_operands = 3 : i64, tpu.core_type = #tpu.core_type<sc_vector_subcore>, window_params = [{transform_indices = #map}, {transform_indices = #map}, {transform_indices = #map}]} {
    %mul3A = arith.constant 2 : i32
    %mul3A_0 = arith.muli %arg1, %mul3A : i32
    %add3A = arith.addi %mul3A_0, %arg0 : i32
    %mul3A_1 = arith.constant 2 : i32
    %mul3A_2 = arith.muli %add3A, %mul3A_1 : i32
    "tpu.region"() ({
      %run_scoped3A = tpu.sem_alloc : memref<!tpu.dma_semaphore, #tpu.memory_space<semaphore_mem>>
      %dma_start3A_43 = arith.constant 0 : i32
      %dma_start3A_44 = tpu.memref_slice %arg3[%mul3A_2, %dma_start3A_43] : memref<64x128xi32, #tpu.memory_space<hbm>> -> memref<2x128xi32, #tpu.memory_space<hbm>>
      %dma_start3A_45 = arith.constant 0 : i32
      %dma_start3A_46 = tpu.memref_slice %arg3[%mul3A_2, %dma_start3A_45] : memref<64x128xi32, #tpu.memory_space<hbm>> -> memref<2x128xi32, #tpu.memory_space<hbm>>
      tpu.enqueue_dma source(%dma_start3A_46 : memref<2x128xi32, #tpu.memory_space<hbm>>) target(%arg5 : memref<2x128xi32, #tpu.memory_space<vmem>>) target_semaphore(%run_scoped3A : memref<!tpu.dma_semaphore, #tpu.memory_space<semaphore_mem>>)
      %dma_wait3A_47 = arith.constant 0 : i32
      %dma_wait3A_48 = tpu.memref_slice %arg3[%mul3A_2, %dma_wait3A_47] : memref<64x128xi32, #tpu.memory_space<hbm>> -> memref<2x128xi32, #tpu.memory_space<hbm>>
      %dma_wait3A_49 = arith.constant 0 : i32
      %dma_wait3A_50 = tpu.memref_slice %arg3[%mul3A_2, %dma_wait3A_49] : memref<64x128xi32, #tpu.memory_space<hbm>> -> memref<2x128xi32, #tpu.memory_space<hbm>>
      tpu.wait_dma2 semaphore(%run_scoped3A : memref<!tpu.dma_semaphore, #tpu.memory_space<semaphore_mem>>) src(%dma_wait3A_50 : memref<2x128xi32, #tpu.memory_space<hbm>>) dst(%arg5 : memref<2x128xi32, #tpu.memory_space<vmem>>)
      tpu.yield
    }) : () -> ()
    %dma_start3A = arith.constant 0 : i32
    %dma_start3A_3 = arith.constant 0 : i32
    %dma_start3A_4 = arith.constant 0 : i32
    %dma_start3A_5 = tpu.memref_slice %arg6[%dma_start3A_3, %dma_start3A_4] : memref<256x256xf32, #tpu.memory_space<vmem>> -> memref<128x256xf32, #tpu.memory_space<vmem>>
    %dma_start3A_6 = arith.constant 0 : i32
    %dma_start3A_7 = tpu.memref_slice %arg5[%dma_start3A, %dma_start3A_6] : memref<2x128xi32, #tpu.memory_space<vmem>> -> memref<1x128xi32, #tpu.memory_space<vmem>>
    %dma_start3A_8 = tpu.memref_squeeze %dma_start3A_7 : memref<1x128xi32, #tpu.memory_space<vmem>> -> memref<128xi32, #tpu.memory_space<vmem>>
    %dma_start3A_9 = arith.constant 0 : i32
    %dma_start3A_10 = arith.constant 0 : i32
    %dma_start3A_11 = tpu.memref_slice %arg2[%dma_start3A_9, %dma_start3A_10] : memref<8192x256xf32, #tpu.memory_space<hbm>> -> memref<8192x256xf32, #tpu.memory_space<hbm>>
    tpu.enqueue_indirect_dma source(%dma_start3A_11 : memref<8192x256xf32, #tpu.memory_space<hbm>>) target(%dma_start3A_5 : memref<128x256xf32, #tpu.memory_space<vmem>>) offsets(%dma_start3A_8 : memref<128xi32, #tpu.memory_space<vmem>>) semaphore(%arg7 : memref<!tpu.dma_semaphore, #tpu.memory_space<semaphore_mem>>)
    %dma_start3A_12 = arith.constant 1 : i32
    %dma_start3A_13 = arith.constant 128 : i32
    %dma_start3A_14 = arith.constant 0 : i32
    %dma_start3A_15 = tpu.memref_slice %arg6[%dma_start3A_13, %dma_start3A_14] : memref<256x256xf32, #tpu.memory_space<vmem>> -> memref<128x256xf32, #tpu.memory_space<vmem>>
    %dma_start3A_16 = arith.constant 0 : i32
    %dma_start3A_17 = tpu.memref_slice %arg5[%dma_start3A_12, %dma_start3A_16] : memref<2x128xi32, #tpu.memory_space<vmem>> -> memref<1x128xi32, #tpu.memory_space<vmem>>
    %dma_start3A_18 = tpu.memref_squeeze %dma_start3A_17 : memref<1x128xi32, #tpu.memory_space<vmem>> -> memref<128xi32, #tpu.memory_space<vmem>>
    %dma_start3A_19 = arith.constant 0 : i32
    %dma_start3A_20 = arith.constant 0 : i32
    %dma_start3A_21 = tpu.memref_slice %arg2[%dma_start3A_19, %dma_start3A_20] : memref<8192x256xf32, #tpu.memory_space<hbm>> -> memref<8192x256xf32, #tpu.memory_space<hbm>>
    tpu.enqueue_indirect_dma source(%dma_start3A_21 : memref<8192x256xf32, #tpu.memory_space<hbm>>) target(%dma_start3A_15 : memref<128x256xf32, #tpu.memory_space<vmem>>) offsets(%dma_start3A_18 : memref<128xi32, #tpu.memory_space<vmem>>) semaphore(%arg7 : memref<!tpu.dma_semaphore, #tpu.memory_space<semaphore_mem>>)
    %dma_wait3A = arith.constant 0 : i32
    %dma_wait3A_22 = arith.constant 0 : i32
    %dma_wait3A_23 = arith.constant 0 : i32
    %dma_wait3A_24 = tpu.memref_slice %arg6[%dma_wait3A_22, %dma_wait3A_23] : memref<256x256xf32, #tpu.memory_space<vmem>> -> memref<128x256xf32, #tpu.memory_space<vmem>>
    %dma_wait3A_25 = arith.constant 0 : i32
    %dma_wait3A_26 = tpu.memref_slice %arg5[%dma_wait3A, %dma_wait3A_25] : memref<2x128xi32, #tpu.memory_space<vmem>> -> memref<1x128xi32, #tpu.memory_space<vmem>>
    %dma_wait3A_27 = tpu.memref_squeeze %dma_wait3A_26 : memref<1x128xi32, #tpu.memory_space<vmem>> -> memref<128xi32, #tpu.memory_space<vmem>>
    %dma_wait3A_28 = arith.constant 0 : i32
    %dma_wait3A_29 = arith.constant 0 : i32
    %dma_wait3A_30 = tpu.memref_slice %arg2[%dma_wait3A_28, %dma_wait3A_29] : memref<8192x256xf32, #tpu.memory_space<hbm>> -> memref<8192x256xf32, #tpu.memory_space<hbm>>
    tpu.wait_indirect_dma semaphore(%arg7 : memref<!tpu.dma_semaphore, #tpu.memory_space<semaphore_mem>>) src(%dma_wait3A_30 : memref<8192x256xf32, #tpu.memory_space<hbm>>) dst(%dma_wait3A_24 : memref<128x256xf32, #tpu.memory_space<vmem>>)
    %dma_wait3A_31 = arith.constant 1 : i32
    %dma_wait3A_32 = arith.constant 128 : i32
    %dma_wait3A_33 = arith.constant 0 : i32
    %dma_wait3A_34 = tpu.memref_slice %arg6[%dma_wait3A_32, %dma_wait3A_33] : memref<256x256xf32, #tpu.memory_space<vmem>> -> memref<128x256xf32, #tpu.memory_space<vmem>>
    %dma_wait3A_35 = arith.constant 0 : i32
    %dma_wait3A_36 = tpu.memref_slice %arg5[%dma_wait3A_31, %dma_wait3A_35] : memref<2x128xi32, #tpu.memory_space<vmem>> -> memref<1x128xi32, #tpu.memory_space<vmem>>
    %dma_wait3A_37 = tpu.memref_squeeze %dma_wait3A_36 : memref<1x128xi32, #tpu.memory_space<vmem>> -> memref<128xi32, #tpu.memory_space<vmem>>
    %dma_wait3A_38 = arith.constant 0 : i32
    %dma_wait3A_39 = arith.constant 0 : i32
    %dma_wait3A_40 = tpu.memref_slice %arg2[%dma_wait3A_38, %dma_wait3A_39] : memref<8192x256xf32, #tpu.memory_space<hbm>> -> memref<8192x256xf32, #tpu.memory_space<hbm>>
    tpu.wait_indirect_dma semaphore(%arg7 : memref<!tpu.dma_semaphore, #tpu.memory_space<semaphore_mem>>) src(%dma_wait3A_40 : memref<8192x256xf32, #tpu.memory_space<hbm>>) dst(%dma_wait3A_34 : memref<128x256xf32, #tpu.memory_space<vmem>>)
    %mul3A_41 = arith.constant 256 : i32
    %mul3A_42 = arith.muli %add3A, %mul3A_41 : i32
    "tpu.region"() ({
      %run_scoped3A = tpu.sem_alloc : memref<!tpu.dma_semaphore, #tpu.memory_space<semaphore_mem>>
      %dma_start3A_43 = arith.constant 0 : i32
      %dma_start3A_44 = tpu.memref_slice %arg4[%mul3A_42, %dma_start3A_43] : memref<8192x256xf32, #tpu.memory_space<hbm>> -> memref<256x256xf32, #tpu.memory_space<hbm>>
      %dma_start3A_45 = arith.constant 0 : i32
      %dma_start3A_46 = tpu.memref_slice %arg4[%mul3A_42, %dma_start3A_45] : memref<8192x256xf32, #tpu.memory_space<hbm>> -> memref<256x256xf32, #tpu.memory_space<hbm>>
      tpu.enqueue_dma source(%arg6 : memref<256x256xf32, #tpu.memory_space<vmem>>) target(%dma_start3A_46 : memref<256x256xf32, #tpu.memory_space<hbm>>) target_semaphore(%run_scoped3A : memref<!tpu.dma_semaphore, #tpu.memory_space<semaphore_mem>>)
      %dma_wait3A_47 = arith.constant 0 : i32
      %dma_wait3A_48 = tpu.memref_slice %arg4[%mul3A_42, %dma_wait3A_47] : memref<8192x256xf32, #tpu.memory_space<hbm>> -> memref<256x256xf32, #tpu.memory_space<hbm>>
      %dma_wait3A_49 = arith.constant 0 : i32
      %dma_wait3A_50 = tpu.memref_slice %arg4[%mul3A_42, %dma_wait3A_49] : memref<8192x256xf32, #tpu.memory_space<hbm>> -> memref<256x256xf32, #tpu.memory_space<hbm>>
      tpu.wait_dma2 semaphore(%run_scoped3A : memref<!tpu.dma_semaphore, #tpu.memory_space<semaphore_mem>>) src(%arg6 : memref<256x256xf32, #tpu.memory_space<vmem>>) dst(%dma_wait3A_50 : memref<256x256xf32, #tpu.memory_space<hbm>>)
      tpu.yield
    }) : () -> ()
    return
  }
}

module attributes {stable_mosaic.version = 14 : i64} {
  func.func @_argmin_body(%arg0: i32, %arg1: memref<1x256x1024xf32, #tpu.memory_space<vmem>>, %arg2: memref<8192x256xf32, #tpu.memory_space<vmem>>, %arg3: memref<1x1x1024xi32, #tpu.memory_space<vmem>>, %arg4: memref<512x16xf32, #tpu.memory_space<vmem>>, %arg5: memref<8192x256xf32, #tpu.memory_space<vmem>>) attributes {dimension_semantics = [#tpu.dimension_semantics<arbitrary>], iteration_bounds = array<i64: 8>, scalar_prefetch = 0 : i64, scratch_operands = 2 : i64, tpu.core_type = #tpu.core_type<tc>, window_params = [{transform_indices = @transform_0, window_bounds = array<i64: 1, 256, 1024>}, {pipeline_mode = #tpu.pipeline_mode<synchronous>, transform_indices = @transform_1, window_bounds = array<i64: 8192, 256>}, {transform_indices = @transform_2, window_bounds = array<i64: 1, 1, 1024>}]} {
    %eq3A = arith.constant 0 : i32
    %eq3A_0 = arith.cmpi eq, %arg0, %eq3A : i32
    %convert_element_type3A = arith.extui %eq3A_0 : i1 to i32
    %cond3A = arith.constant 0 : i32
    %cond3A_1 = arith.cmpi ne, %convert_element_type3A, %cond3A : i32
    scf.if %cond3A_1 {
      %get3A_353 = arith.constant 0 : index
      %get3A_354 = arith.constant 0 : index
      %get3A_355 = vector.load %arg2[%get3A_353, %get3A_354] : memref<8192x256xf32, #tpu.memory_space<vmem>>, vector<8192x256xf32>
      %mul3A = arith.constant -2.000000e+00 : f32
      %mul3A_356 = vector.broadcast %mul3A : f32 to vector<8192x256xf32>
      %mul3A_357 = arith.mulf %get3A_355, %mul3A_356 : vector<8192x256xf32>
      %swap3A_358 = arith.constant 0 : index
      %swap3A_359 = arith.constant 0 : index
      %swap3A_360 = vector.load %arg5[%swap3A_358, %swap3A_359] : memref<8192x256xf32, #tpu.memory_space<vmem>>, vector<8192x256xf32>
      tpu.vector_store %arg5[%swap3A_358, %swap3A_359], %mul3A_357 {strides = array<i32>} : memref<8192x256xf32, #tpu.memory_space<vmem>>, vector<8192x256xf32>,
      %get3A_361 = arith.constant 0 : index
      %get3A_362 = arith.constant 0 : index
      %get3A_363 = vector.load %arg5[%get3A_361, %get3A_362] : memref<8192x256xf32, #tpu.memory_space<vmem>>, vector<512x256xf32>
      %mul3A_364 = arith.mulf %get3A_363, %get3A_363 : vector<512x256xf32>
      %reduce_sum3A = arith.constant dense<0.000000e+00> : vector<512xf32>
      %reduce_sum3A_365 = vector.multi_reduction <add>, %mul3A_364, %reduce_sum3A [1] : vector<512x256xf32> to vector<512xf32>
      %broadcast_in_dim3A_366 = vector.shape_cast %reduce_sum3A_365 : vector<512xf32> to vector<512x1xf32>
      %mul3A_367 = arith.constant 2.500000e-01 : f32
      %mul3A_368 = vector.broadcast %mul3A_367 : f32 to vector<512x1xf32>
      %mul3A_369 = arith.mulf %mul3A_368, %broadcast_in_dim3A_366 : vector<512x1xf32>
      %swap3A_370 = arith.constant 0 : index
      %swap3A_371 = arith.constant 0 : index
      %swap3A_372 = vector.load %arg4[%swap3A_370, %swap3A_371] : memref<512x16xf32, #tpu.memory_space<vmem>>, vector<512x1xf32>
      tpu.vector_store %arg4[%swap3A_370, %swap3A_371], %mul3A_369 {strides = array<i32>} : memref<512x16xf32, #tpu.memory_space<vmem>>, vector<512x1xf32>,
      %get3A_373 = arith.constant 512 : index
      %get3A_374 = arith.constant 0 : index
      %get3A_375 = vector.load %arg5[%get3A_373, %get3A_374] : memref<8192x256xf32, #tpu.memory_space<vmem>>, vector<512x256xf32>
      %mul3A_376 = arith.mulf %get3A_375, %get3A_375 : vector<512x256xf32>
      %reduce_sum3A_377 = arith.constant dense<0.000000e+00> : vector<512xf32>
      %reduce_sum3A_378 = vector.multi_reduction <add>, %mul3A_376, %reduce_sum3A_377 [1] : vector<512x256xf32> to vector<512xf32>
      %broadcast_in_dim3A_379 = vector.shape_cast %reduce_sum3A_378 : vector<512xf32> to vector<512x1xf32>
      %mul3A_380 = arith.constant 2.500000e-01 : f32
      %mul3A_381 = vector.broadcast %mul3A_380 : f32 to vector<512x1xf32>
      %mul3A_382 = arith.mulf %mul3A_381, %broadcast_in_dim3A_379 : vector<512x1xf32>
      %swap3A_383 = arith.constant 0 : index
      %swap3A_384 = arith.constant 1 : index
      %swap3A_385 = vector.load %arg4[%swap3A_383, %swap3A_384] : memref<512x16xf32, #tpu.memory_space<vmem>>, vector<512x1xf32>
      tpu.vector_store %arg4[%swap3A_383, %swap3A_384], %mul3A_382 {strides = array<i32>} : memref<512x16xf32, #tpu.memory_space<vmem>>, vector<512x1xf32>,
      %get3A_386 = arith.constant 1024 : index
      %get3A_387 = arith.constant 0 : index
      %get3A_388 = vector.load %arg5[%get3A_386, %get3A_387] : memref<8192x256xf32, #tpu.memory_space<vmem>>, vector<512x256xf32>
      %mul3A_389 = arith.mulf %get3A_388, %get3A_388 : vector<512x256xf32>
      %reduce_sum3A_390 = arith.constant dense<0.000000e+00> : vector<512xf32>
      %reduce_sum3A_391 = vector.multi_reduction <add>, %mul3A_389, %reduce_sum3A_390 [1] : vector<512x256xf32> to vector<512xf32>
      %broadcast_in_dim3A_392 = vector.shape_cast %reduce_sum3A_391 : vector<512xf32> to vector<512x1xf32>
      %mul3A_393 = arith.constant 2.500000e-01 : f32
      %mul3A_394 = vector.broadcast %mul3A_393 : f32 to vector<512x1xf32>
      %mul3A_395 = arith.mulf %mul3A_394, %broadcast_in_dim3A_392 : vector<512x1xf32>
      %swap3A_396 = arith.constant 0 : index
      %swap3A_397 = arith.constant 2 : index
      %swap3A_398 = vector.load %arg4[%swap3A_396, %swap3A_397] : memref<512x16xf32, #tpu.memory_space<vmem>>, vector<512x1xf32>
      tpu.vector_store %arg4[%swap3A_396, %swap3A_397], %mul3A_395 {strides = array<i32>} : memref<512x16xf32, #tpu.memory_space<vmem>>, vector<512x1xf32>,
      %get3A_399 = arith.constant 1536 : index
      %get3A_400 = arith.constant 0 : index
      %get3A_401 = vector.load %arg5[%get3A_399, %get3A_400] : memref<8192x256xf32, #tpu.memory_space<vmem>>, vector<512x256xf32>
      %mul3A_402 = arith.mulf %get3A_401, %get3A_401 : vector<512x256xf32>
      %reduce_sum3A_403 = arith.constant dense<0.000000e+00> : vector<512xf32>
      %reduce_sum3A_404 = vector.multi_reduction <add>, %mul3A_402, %reduce_sum3A_403 [1] : vector<512x256xf32> to vector<512xf32>
      %broadcast_in_dim3A_405 = vector.shape_cast %reduce_sum3A_404 : vector<512xf32> to vector<512x1xf32>
      %mul3A_406 = arith.constant 2.500000e-01 : f32
      %mul3A_407 = vector.broadcast %mul3A_406 : f32 to vector<512x1xf32>
      %mul3A_408 = arith.mulf %mul3A_407, %broadcast_in_dim3A_405 : vector<512x1xf32>
      %swap3A_409 = arith.constant 0 : index
      %swap3A_410 = arith.constant 3 : index
      %swap3A_411 = vector.load %arg4[%swap3A_409, %swap3A_410] : memref<512x16xf32, #tpu.memory_space<vmem>>, vector<512x1xf32>
      tpu.vector_store %arg4[%swap3A_409, %swap3A_410], %mul3A_408 {strides = array<i32>} : memref<512x16xf32, #tpu.memory_space<vmem>>, vector<512x1xf32>,
      %get3A_412 = arith.constant 2048 : index
      %get3A_413 = arith.constant 0 : index
      %get3A_414 = vector.load %arg5[%get3A_412, %get3A_413] : memref<8192x256xf32, #tpu.memory_space<vmem>>, vector<512x256xf32>
      %mul3A_415 = arith.mulf %get3A_414, %get3A_414 : vector<512x256xf32>
      %reduce_sum3A_416 = arith.constant dense<0.000000e+00> : vector<512xf32>
      %reduce_sum3A_417 = vector.multi_reduction <add>, %mul3A_415, %reduce_sum3A_416 [1] : vector<512x256xf32> to vector<512xf32>
      %broadcast_in_dim3A_418 = vector.shape_cast %reduce_sum3A_417 : vector<512xf32> to vector<512x1xf32>
      %mul3A_419 = arith.constant 2.500000e-01 : f32
      %mul3A_420 = vector.broadcast %mul3A_419 : f32 to vector<512x1xf32>
      %mul3A_421 = arith.mulf %mul3A_420, %broadcast_in_dim3A_418 : vector<512x1xf32>
      %swap3A_422 = arith.constant 0 : index
      %swap3A_423 = arith.constant 4 : index
      %swap3A_424 = vector.load %arg4[%swap3A_422, %swap3A_423] : memref<512x16xf32, #tpu.memory_space<vmem>>, vector<512x1xf32>
      tpu.vector_store %arg4[%swap3A_422, %swap3A_423], %mul3A_421 {strides = array<i32>} : memref<512x16xf32, #tpu.memory_space<vmem>>, vector<512x1xf32>,
      %get3A_425 = arith.constant 2560 : index
      %get3A_426 = arith.constant 0 : index
      %get3A_427 = vector.load %arg5[%get3A_425, %get3A_426] : memref<8192x256xf32, #tpu.memory_space<vmem>>, vector<512x256xf32>
      %mul3A_428 = arith.mulf %get3A_427, %get3A_427 : vector<512x256xf32>
      %reduce_sum3A_429 = arith.constant dense<0.000000e+00> : vector<512xf32>
      %reduce_sum3A_430 = vector.multi_reduction <add>, %mul3A_428, %reduce_sum3A_429 [1] : vector<512x256xf32> to vector<512xf32>
      %broadcast_in_dim3A_431 = vector.shape_cast %reduce_sum3A_430 : vector<512xf32> to vector<512x1xf32>
      %mul3A_432 = arith.constant 2.500000e-01 : f32
      %mul3A_433 = vector.broadcast %mul3A_432 : f32 to vector<512x1xf32>
      %mul3A_434 = arith.mulf %mul3A_433, %broadcast_in_dim3A_431 : vector<512x1xf32>
      %swap3A_435 = arith.constant 0 : index
      %swap3A_436 = arith.constant 5 : index
      %swap3A_437 = vector.load %arg4[%swap3A_435, %swap3A_436] : memref<512x16xf32, #tpu.memory_space<vmem>>, vector<512x1xf32>
      tpu.vector_store %arg4[%swap3A_435, %swap3A_436], %mul3A_434 {strides = array<i32>} : memref<512x16xf32, #tpu.memory_space<vmem>>, vector<512x1xf32>,
      %get3A_438 = arith.constant 3072 : index
      %get3A_439 = arith.constant 0 : index
      %get3A_440 = vector.load %arg5[%get3A_438, %get3A_439] : memref<8192x256xf32, #tpu.memory_space<vmem>>, vector<512x256xf32>
      %mul3A_441 = arith.mulf %get3A_440, %get3A_440 : vector<512x256xf32>
      %reduce_sum3A_442 = arith.constant dense<0.000000e+00> : vector<512xf32>
      %reduce_sum3A_443 = vector.multi_reduction <add>, %mul3A_441, %reduce_sum3A_442 [1] : vector<512x256xf32> to vector<512xf32>
      %broadcast_in_dim3A_444 = vector.shape_cast %reduce_sum3A_443 : vector<512xf32> to vector<512x1xf32>
      %mul3A_445 = arith.constant 2.500000e-01 : f32
      %mul3A_446 = vector.broadcast %mul3A_445 : f32 to vector<512x1xf32>
      %mul3A_447 = arith.mulf %mul3A_446, %broadcast_in_dim3A_444 : vector<512x1xf32>
      %swap3A_448 = arith.constant 0 : index
      %swap3A_449 = arith.constant 6 : index
      %swap3A_450 = vector.load %arg4[%swap3A_448, %swap3A_449] : memref<512x16xf32, #tpu.memory_space<vmem>>, vector<512x1xf32>
      tpu.vector_store %arg4[%swap3A_448, %swap3A_449], %mul3A_447 {strides = array<i32>} : memref<512x16xf32, #tpu.memory_space<vmem>>, vector<512x1xf32>,
      %get3A_451 = arith.constant 3584 : index
      %get3A_452 = arith.constant 0 : index
      %get3A_453 = vector.load %arg5[%get3A_451, %get3A_452] : memref<8192x256xf32, #tpu.memory_space<vmem>>, vector<512x256xf32>
      %mul3A_454 = arith.mulf %get3A_453, %get3A_453 : vector<512x256xf32>
      %reduce_sum3A_455 = arith.constant dense<0.000000e+00> : vector<512xf32>
      %reduce_sum3A_456 = vector.multi_reduction <add>, %mul3A_454, %reduce_sum3A_455 [1] : vector<512x256xf32> to vector<512xf32>
      %broadcast_in_dim3A_457 = vector.shape_cast %reduce_sum3A_456 : vector<512xf32> to vector<512x1xf32>
      %mul3A_458 = arith.constant 2.500000e-01 : f32
      %mul3A_459 = vector.broadcast %mul3A_458 : f32 to vector<512x1xf32>
      %mul3A_460 = arith.mulf %mul3A_459, %broadcast_in_dim3A_457 : vector<512x1xf32>
      %swap3A_461 = arith.constant 0 : index
      %swap3A_462 = arith.constant 7 : index
      %swap3A_463 = vector.load %arg4[%swap3A_461, %swap3A_462] : memref<512x16xf32, #tpu.memory_space<vmem>>, vector<512x1xf32>
      tpu.vector_store %arg4[%swap3A_461, %swap3A_462], %mul3A_460 {strides = array<i32>} : memref<512x16xf32, #tpu.memory_space<vmem>>, vector<512x1xf32>,
      %get3A_464 = arith.constant 4096 : index
      %get3A_465 = arith.constant 0 : index
      %get3A_466 = vector.load %arg5[%get3A_464, %get3A_465] : memref<8192x256xf32, #tpu.memory_space<vmem>>, vector<512x256xf32>
      %mul3A_467 = arith.mulf %get3A_466, %get3A_466 : vector<512x256xf32>
      %reduce_sum3A_468 = arith.constant dense<0.000000e+00> : vector<512xf32>
      %reduce_sum3A_469 = vector.multi_reduction <add>, %mul3A_467, %reduce_sum3A_468 [1] : vector<512x256xf32> to vector<512xf32>
      %broadcast_in_dim3A_470 = vector.shape_cast %reduce_sum3A_469 : vector<512xf32> to vector<512x1xf32>
      %mul3A_471 = arith.constant 2.500000e-01 : f32
      %mul3A_472 = vector.broadcast %mul3A_471 : f32 to vector<512x1xf32>
      %mul3A_473 = arith.mulf %mul3A_472, %broadcast_in_dim3A_470 : vector<512x1xf32>
      %swap3A_474 = arith.constant 0 : index
      %swap3A_475 = arith.constant 8 : index
      %swap3A_476 = vector.load %arg4[%swap3A_474, %swap3A_475] : memref<512x16xf32, #tpu.memory_space<vmem>>, vector<512x1xf32>
      tpu.vector_store %arg4[%swap3A_474, %swap3A_475], %mul3A_473 {strides = array<i32>} : memref<512x16xf32, #tpu.memory_space<vmem>>, vector<512x1xf32>,
      %get3A_477 = arith.constant 4608 : index
      %get3A_478 = arith.constant 0 : index
      %get3A_479 = vector.load %arg5[%get3A_477, %get3A_478] : memref<8192x256xf32, #tpu.memory_space<vmem>>, vector<512x256xf32>
      %mul3A_480 = arith.mulf %get3A_479, %get3A_479 : vector<512x256xf32>
      %reduce_sum3A_481 = arith.constant dense<0.000000e+00> : vector<512xf32>
      %reduce_sum3A_482 = vector.multi_reduction <add>, %mul3A_480, %reduce_sum3A_481 [1] : vector<512x256xf32> to vector<512xf32>
      %broadcast_in_dim3A_483 = vector.shape_cast %reduce_sum3A_482 : vector<512xf32> to vector<512x1xf32>
      %mul3A_484 = arith.constant 2.500000e-01 : f32
      %mul3A_485 = vector.broadcast %mul3A_484 : f32 to vector<512x1xf32>
      %mul3A_486 = arith.mulf %mul3A_485, %broadcast_in_dim3A_483 : vector<512x1xf32>
      %swap3A_487 = arith.constant 0 : index
      %swap3A_488 = arith.constant 9 : index
      %swap3A_489 = vector.load %arg4[%swap3A_487, %swap3A_488] : memref<512x16xf32, #tpu.memory_space<vmem>>, vector<512x1xf32>
      tpu.vector_store %arg4[%swap3A_487, %swap3A_488], %mul3A_486 {strides = array<i32>} : memref<512x16xf32, #tpu.memory_space<vmem>>, vector<512x1xf32>,
      %get3A_490 = arith.constant 5120 : index
      %get3A_491 = arith.constant 0 : index
      %get3A_492 = vector.load %arg5[%get3A_490, %get3A_491] : memref<8192x256xf32, #tpu.memory_space<vmem>>, vector<512x256xf32>
      %mul3A_493 = arith.mulf %get3A_492, %get3A_492 : vector<512x256xf32>
      %reduce_sum3A_494 = arith.constant dense<0.000000e+00> : vector<512xf32>
      %reduce_sum3A_495 = vector.multi_reduction <add>, %mul3A_493, %reduce_sum3A_494 [1] : vector<512x256xf32> to vector<512xf32>
      %broadcast_in_dim3A_496 = vector.shape_cast %reduce_sum3A_495 : vector<512xf32> to vector<512x1xf32>
      %mul3A_497 = arith.constant 2.500000e-01 : f32
      %mul3A_498 = vector.broadcast %mul3A_497 : f32 to vector<512x1xf32>
      %mul3A_499 = arith.mulf %mul3A_498, %broadcast_in_dim3A_496 : vector<512x1xf32>
      %swap3A_500 = arith.constant 0 : index
      %swap3A_501 = arith.constant 10 : index
      %swap3A_502 = vector.load %arg4[%swap3A_500, %swap3A_501] : memref<512x16xf32, #tpu.memory_space<vmem>>, vector<512x1xf32>
      tpu.vector_store %arg4[%swap3A_500, %swap3A_501], %mul3A_499 {strides = array<i32>} : memref<512x16xf32, #tpu.memory_space<vmem>>, vector<512x1xf32>,
      %get3A_503 = arith.constant 5632 : index
      %get3A_504 = arith.constant 0 : index
      %get3A_505 = vector.load %arg5[%get3A_503, %get3A_504] : memref<8192x256xf32, #tpu.memory_space<vmem>>, vector<512x256xf32>
      %mul3A_506 = arith.mulf %get3A_505, %get3A_505 : vector<512x256xf32>
      %reduce_sum3A_507 = arith.constant dense<0.000000e+00> : vector<512xf32>
      %reduce_sum3A_508 = vector.multi_reduction <add>, %mul3A_506, %reduce_sum3A_507 [1] : vector<512x256xf32> to vector<512xf32>
      %broadcast_in_dim3A_509 = vector.shape_cast %reduce_sum3A_508 : vector<512xf32> to vector<512x1xf32>
      %mul3A_510 = arith.constant 2.500000e-01 : f32
      %mul3A_511 = vector.broadcast %mul3A_510 : f32 to vector<512x1xf32>
      %mul3A_512 = arith.mulf %mul3A_511, %broadcast_in_dim3A_509 : vector<512x1xf32>
      %swap3A_513 = arith.constant 0 : index
      %swap3A_514 = arith.constant 11 : index
      %swap3A_515 = vector.load %arg4[%swap3A_513, %swap3A_514] : memref<512x16xf32, #tpu.memory_space<vmem>>, vector<512x1xf32>
      tpu.vector_store %arg4[%swap3A_513, %swap3A_514], %mul3A_512 {strides = array<i32>} : memref<512x16xf32, #tpu.memory_space<vmem>>, vector<512x1xf32>,
      %get3A_516 = arith.constant 6144 : index
      %get3A_517 = arith.constant 0 : index
      %get3A_518 = vector.load %arg5[%get3A_516, %get3A_517] : memref<8192x256xf32, #tpu.memory_space<vmem>>, vector<512x256xf32>
      %mul3A_519 = arith.mulf %get3A_518, %get3A_518 : vector<512x256xf32>
      %reduce_sum3A_520 = arith.constant dense<0.000000e+00> : vector<512xf32>
      %reduce_sum3A_521 = vector.multi_reduction <add>, %mul3A_519, %reduce_sum3A_520 [1] : vector<512x256xf32> to vector<512xf32>
      %broadcast_in_dim3A_522 = vector.shape_cast %reduce_sum3A_521 : vector<512xf32> to vector<512x1xf32>
      %mul3A_523 = arith.constant 2.500000e-01 : f32
      %mul3A_524 = vector.broadcast %mul3A_523 : f32 to vector<512x1xf32>
      %mul3A_525 = arith.mulf %mul3A_524, %broadcast_in_dim3A_522 : vector<512x1xf32>
      %swap3A_526 = arith.constant 0 : index
      %swap3A_527 = arith.constant 12 : index
      %swap3A_528 = vector.load %arg4[%swap3A_526, %swap3A_527] : memref<512x16xf32, #tpu.memory_space<vmem>>, vector<512x1xf32>
      tpu.vector_store %arg4[%swap3A_526, %swap3A_527], %mul3A_525 {strides = array<i32>} : memref<512x16xf32, #tpu.memory_space<vmem>>, vector<512x1xf32>,
      %get3A_529 = arith.constant 6656 : index
      %get3A_530 = arith.constant 0 : index
      %get3A_531 = vector.load %arg5[%get3A_529, %get3A_530] : memref<8192x256xf32, #tpu.memory_space<vmem>>, vector<512x256xf32>
      %mul3A_532 = arith.mulf %get3A_531, %get3A_531 : vector<512x256xf32>
      %reduce_sum3A_533 = arith.constant dense<0.000000e+00> : vector<512xf32>
      %reduce_sum3A_534 = vector.multi_reduction <add>, %mul3A_532, %reduce_sum3A_533 [1] : vector<512x256xf32> to vector<512xf32>
      %broadcast_in_dim3A_535 = vector.shape_cast %reduce_sum3A_534 : vector<512xf32> to vector<512x1xf32>
      %mul3A_536 = arith.constant 2.500000e-01 : f32
      %mul3A_537 = vector.broadcast %mul3A_536 : f32 to vector<512x1xf32>
      %mul3A_538 = arith.mulf %mul3A_537, %broadcast_in_dim3A_535 : vector<512x1xf32>
      %swap3A_539 = arith.constant 0 : index
      %swap3A_540 = arith.constant 13 : index
      %swap3A_541 = vector.load %arg4[%swap3A_539, %swap3A_540] : memref<512x16xf32, #tpu.memory_space<vmem>>, vector<512x1xf32>
      tpu.vector_store %arg4[%swap3A_539, %swap3A_540], %mul3A_538 {strides = array<i32>} : memref<512x16xf32, #tpu.memory_space<vmem>>, vector<512x1xf32>,
      %get3A_542 = arith.constant 7168 : index
      %get3A_543 = arith.constant 0 : index
      %get3A_544 = vector.load %arg5[%get3A_542, %get3A_543] : memref<8192x256xf32, #tpu.memory_space<vmem>>, vector<512x256xf32>
      %mul3A_545 = arith.mulf %get3A_544, %get3A_544 : vector<512x256xf32>
      %reduce_sum3A_546 = arith.constant dense<0.000000e+00> : vector<512xf32>
      %reduce_sum3A_547 = vector.multi_reduction <add>, %mul3A_545, %reduce_sum3A_546 [1] : vector<512x256xf32> to vector<512xf32>
      %broadcast_in_dim3A_548 = vector.shape_cast %reduce_sum3A_547 : vector<512xf32> to vector<512x1xf32>
      %mul3A_549 = arith.constant 2.500000e-01 : f32
      %mul3A_550 = vector.broadcast %mul3A_549 : f32 to vector<512x1xf32>
      %mul3A_551 = arith.mulf %mul3A_550, %broadcast_in_dim3A_548 : vector<512x1xf32>
      %swap3A_552 = arith.constant 0 : index
      %swap3A_553 = arith.constant 14 : index
      %swap3A_554 = vector.load %arg4[%swap3A_552, %swap3A_553] : memref<512x16xf32, #tpu.memory_space<vmem>>, vector<512x1xf32>
      tpu.vector_store %arg4[%swap3A_552, %swap3A_553], %mul3A_551 {strides = array<i32>} : memref<512x16xf32, #tpu.memory_space<vmem>>, vector<512x1xf32>,
      %get3A_555 = arith.constant 7680 : index
      %get3A_556 = arith.constant 0 : index
      %get3A_557 = vector.load %arg5[%get3A_555, %get3A_556] : memref<8192x256xf32, #tpu.memory_space<vmem>>, vector<512x256xf32>
      %mul3A_558 = arith.mulf %get3A_557, %get3A_557 : vector<512x256xf32>
      %reduce_sum3A_559 = arith.constant dense<0.000000e+00> : vector<512xf32>
      %reduce_sum3A_560 = vector.multi_reduction <add>, %mul3A_558, %reduce_sum3A_559 [1] : vector<512x256xf32> to vector<512xf32>
      %broadcast_in_dim3A_561 = vector.shape_cast %reduce_sum3A_560 : vector<512xf32> to vector<512x1xf32>
      %mul3A_562 = arith.constant 2.500000e-01 : f32
      %mul3A_563 = vector.broadcast %mul3A_562 : f32 to vector<512x1xf32>
      %mul3A_564 = arith.mulf %mul3A_563, %broadcast_in_dim3A_561 : vector<512x1xf32>
      %swap3A_565 = arith.constant 0 : index
      %swap3A_566 = arith.constant 15 : index
      %swap3A_567 = vector.load %arg4[%swap3A_565, %swap3A_566] : memref<512x16xf32, #tpu.memory_space<vmem>>, vector<512x1xf32>
      tpu.vector_store %arg4[%swap3A_565, %swap3A_566], %mul3A_564 {strides = array<i32>} : memref<512x16xf32, #tpu.memory_space<vmem>>, vector<512x1xf32>,
    } else {
    }
    %get3A = arith.constant 0 : index
    %get3A_2 = arith.constant 0 : index
    %get3A_3 = arith.constant 0 : index
    %get3A_4 = vector.load %arg1[%get3A, %get3A_2, %get3A_3] : memref<1x256x1024xf32, #tpu.memory_space<vmem>>, vector<1x256x1024xf32>
    %get3A_5 = vector.shape_cast %get3A_4 : vector<1x256x1024xf32> to vector<256x1024xf32>
    %get3A_6 = arith.constant 0 : index
    %get3A_7 = arith.constant 0 : index
    %get3A_8 = vector.load %arg5[%get3A_6, %get3A_7] : memref<8192x256xf32, #tpu.memory_space<vmem>>, vector<512x256xf32>
    %get3A_9 = arith.constant 0 : index
    %get3A_10 = arith.constant 0 : index
    %get3A_11 = vector.load %arg4[%get3A_9, %get3A_10] : memref<512x16xf32, #tpu.memory_space<vmem>>, vector<512x1xf32>
    %dot_general3A = arith.constant dense<0.000000e+00> : vector<512x1024xf32>
    %dot_general3A_12 = tpu.matmul %get3A_8, %get3A_5, %dot_general3A {dimension_numbers = #tpu.dot_dimension_numbers<[1], [0], [0], [1], [0, 0, 1, 1], [], []>, transpose_lhs_hint = false} : vector<512x256xf32>, vector<256x1024xf32>, vector<512x1024xf32> -> vector<512x1024xf32>
    %add3A = vector.broadcast %get3A_11 : vector<512x1xf32> to vector<512x1024xf32>
    %add3A_13 = arith.addf %add3A, %dot_general3A_12 : vector<512x1024xf32>
    %reduce_min3A = arith.constant dense<0x7F800000> : vector<1024xf32>
    %reduce_min3A_14 = vector.multi_reduction <minimumf>, %add3A_13, %reduce_min3A [0] : vector<512x1024xf32> to vector<1024xf32>
    %broadcast_in_dim3A = vector.shape_cast %reduce_min3A_14 : vector<1024xf32> to vector<1x1024xf32>
    %argmin3A = tpu.reduce_index %add3A_13 {axis = 0 : i32, kind = #tpu.reduction_kind<arg_min>} : vector<512x1024xf32> -> vector<1024xi32>
    %convert_element_type3A_15 = arith.sitofp %argmin3A : vector<1024xi32> to vector<1024xf32>
    %add3A_16 = arith.constant 0.000000e+00 : f32
    %add3A_17 = vector.broadcast %add3A_16 : f32 to vector<1024xf32>
    %add3A_18 = arith.addf %convert_element_type3A_15, %add3A_17 : vector<1024xf32>
    %broadcast_in_dim3A_19 = vector.shape_cast %add3A_18 : vector<1024xf32> to vector<1x1024xf32>
    %get3A_20 = arith.constant 512 : index
    %get3A_21 = arith.constant 0 : index
    %get3A_22 = vector.load %arg5[%get3A_20, %get3A_21] : memref<8192x256xf32, #tpu.memory_space<vmem>>, vector<512x256xf32>
    %get3A_23 = arith.constant 0 : index
    %get3A_24 = arith.constant 1 : index
    %get3A_25 = vector.load %arg4[%get3A_23, %get3A_24] : memref<512x16xf32, #tpu.memory_space<vmem>>, vector<512x1xf32>
    %dot_general3A_26 = arith.constant dense<0.000000e+00> : vector<512x1024xf32>
    %dot_general3A_27 = tpu.matmul %get3A_22, %get3A_5, %dot_general3A_26 {dimension_numbers = #tpu.dot_dimension_numbers<[1], [0], [0], [1], [0, 0, 1, 1], [], []>, transpose_lhs_hint = false} : vector<512x256xf32>, vector<256x1024xf32>, vector<512x1024xf32> -> vector<512x1024xf32>
    %add3A_28 = vector.broadcast %get3A_25 : vector<512x1xf32> to vector<512x1024xf32>
    %add3A_29 = arith.addf %add3A_28, %dot_general3A_27 : vector<512x1024xf32>
    %reduce_min3A_30 = arith.constant dense<0x7F800000> : vector<1024xf32>
    %reduce_min3A_31 = vector.multi_reduction <minimumf>, %add3A_29, %reduce_min3A_30 [0] : vector<512x1024xf32> to vector<1024xf32>
    %broadcast_in_dim3A_32 = vector.shape_cast %reduce_min3A_31 : vector<1024xf32> to vector<1x1024xf32>
    %argmin3A_33 = tpu.reduce_index %add3A_29 {axis = 0 : i32, kind = #tpu.reduction_kind<arg_min>} : vector<512x1024xf32> -> vector<1024xi32>
    %convert_element_type3A_34 = arith.sitofp %argmin3A_33 : vector<1024xi32> to vector<1024xf32>
    %add3A_35 = arith.constant 5.120000e+02 : f32
    %add3A_36 = vector.broadcast %add3A_35 : f32 to vector<1024xf32>
    %add3A_37 = arith.addf %convert_element_type3A_34, %add3A_36 : vector<1024xf32>
    %broadcast_in_dim3A_38 = vector.shape_cast %add3A_37 : vector<1024xf32> to vector<1x1024xf32>
    %lt3A = arith.cmpf olt, %broadcast_in_dim3A_32, %broadcast_in_dim3A : vector<1x1024xf32>
    %select_n3A = arith.select %lt3A, %broadcast_in_dim3A_38, %broadcast_in_dim3A_19 : vector<1x1024xi1>, vector<1x1024xf32>
    %select_n3A_39 = arith.select %lt3A, %broadcast_in_dim3A_32, %broadcast_in_dim3A : vector<1x1024xi1>, vector<1x1024xf32>
    %get3A_40 = arith.constant 1024 : index
    %get3A_41 = arith.constant 0 : index
    %get3A_42 = vector.load %arg5[%get3A_40, %get3A_41] : memref<8192x256xf32, #tpu.memory_space<vmem>>, vector<512x256xf32>
    %get3A_43 = arith.constant 0 : index
    %get3A_44 = arith.constant 2 : index
    %get3A_45 = vector.load %arg4[%get3A_43, %get3A_44] : memref<512x16xf32, #tpu.memory_space<vmem>>, vector<512x1xf32>
    %dot_general3A_46 = arith.constant dense<0.000000e+00> : vector<512x1024xf32>
    %dot_general3A_47 = tpu.matmul %get3A_42, %get3A_5, %dot_general3A_46 {dimension_numbers = #tpu.dot_dimension_numbers<[1], [0], [0], [1], [0, 0, 1, 1], [], []>, transpose_lhs_hint = false} : vector<512x256xf32>, vector<256x1024xf32>, vector<512x1024xf32> -> vector<512x1024xf32>
    %add3A_48 = vector.broadcast %get3A_45 : vector<512x1xf32> to vector<512x1024xf32>
    %add3A_49 = arith.addf %add3A_48, %dot_general3A_47 : vector<512x1024xf32>
    %reduce_min3A_50 = arith.constant dense<0x7F800000> : vector<1024xf32>
    %reduce_min3A_51 = vector.multi_reduction <minimumf>, %add3A_49, %reduce_min3A_50 [0] : vector<512x1024xf32> to vector<1024xf32>
    %broadcast_in_dim3A_52 = vector.shape_cast %reduce_min3A_51 : vector<1024xf32> to vector<1x1024xf32>
    %argmin3A_53 = tpu.reduce_index %add3A_49 {axis = 0 : i32, kind = #tpu.reduction_kind<arg_min>} : vector<512x1024xf32> -> vector<1024xi32>
    %convert_element_type3A_54 = arith.sitofp %argmin3A_53 : vector<1024xi32> to vector<1024xf32>
    %add3A_55 = arith.constant 1.024000e+03 : f32
    %add3A_56 = vector.broadcast %add3A_55 : f32 to vector<1024xf32>
    %add3A_57 = arith.addf %convert_element_type3A_54, %add3A_56 : vector<1024xf32>
    %broadcast_in_dim3A_58 = vector.shape_cast %add3A_57 : vector<1024xf32> to vector<1x1024xf32>
    %lt3A_59 = arith.cmpf olt, %broadcast_in_dim3A_52, %select_n3A_39 : vector<1x1024xf32>
    %select_n3A_60 = arith.select %lt3A_59, %broadcast_in_dim3A_58, %select_n3A : vector<1x1024xi1>, vector<1x1024xf32>
    %select_n3A_61 = arith.select %lt3A_59, %broadcast_in_dim3A_52, %select_n3A_39 : vector<1x1024xi1>, vector<1x1024xf32>
    %get3A_62 = arith.constant 1536 : index
    %get3A_63 = arith.constant 0 : index
    %get3A_64 = vector.load %arg5[%get3A_62, %get3A_63] : memref<8192x256xf32, #tpu.memory_space<vmem>>, vector<512x256xf32>
    %get3A_65 = arith.constant 0 : index
    %get3A_66 = arith.constant 3 : index
    %get3A_67 = vector.load %arg4[%get3A_65, %get3A_66] : memref<512x16xf32, #tpu.memory_space<vmem>>, vector<512x1xf32>
    %dot_general3A_68 = arith.constant dense<0.000000e+00> : vector<512x1024xf32>
    %dot_general3A_69 = tpu.matmul %get3A_64, %get3A_5, %dot_general3A_68 {dimension_numbers = #tpu.dot_dimension_numbers<[1], [0], [0], [1], [0, 0, 1, 1], [], []>, transpose_lhs_hint = false} : vector<512x256xf32>, vector<256x1024xf32>, vector<512x1024xf32> -> vector<512x1024xf32>
    %add3A_70 = vector.broadcast %get3A_67 : vector<512x1xf32> to vector<512x1024xf32>
    %add3A_71 = arith.addf %add3A_70, %dot_general3A_69 : vector<512x1024xf32>
    %reduce_min3A_72 = arith.constant dense<0x7F800000> : vector<1024xf32>
    %reduce_min3A_73 = vector.multi_reduction <minimumf>, %add3A_71, %reduce_min3A_72 [0] : vector<512x1024xf32> to vector<1024xf32>
    %broadcast_in_dim3A_74 = vector.shape_cast %reduce_min3A_73 : vector<1024xf32> to vector<1x1024xf32>
    %argmin3A_75 = tpu.reduce_index %add3A_71 {axis = 0 : i32, kind = #tpu.reduction_kind<arg_min>} : vector<512x1024xf32> -> vector<1024xi32>
    %convert_element_type3A_76 = arith.sitofp %argmin3A_75 : vector<1024xi32> to vector<1024xf32>
    %add3A_77 = arith.constant 1.536000e+03 : f32
    %add3A_78 = vector.broadcast %add3A_77 : f32 to vector<1024xf32>
    %add3A_79 = arith.addf %convert_element_type3A_76, %add3A_78 : vector<1024xf32>
    %broadcast_in_dim3A_80 = vector.shape_cast %add3A_79 : vector<1024xf32> to vector<1x1024xf32>
    %lt3A_81 = arith.cmpf olt, %broadcast_in_dim3A_74, %select_n3A_61 : vector<1x1024xf32>
    %select_n3A_82 = arith.select %lt3A_81, %broadcast_in_dim3A_80, %select_n3A_60 : vector<1x1024xi1>, vector<1x1024xf32>
    %select_n3A_83 = arith.select %lt3A_81, %broadcast_in_dim3A_74, %select_n3A_61 : vector<1x1024xi1>, vector<1x1024xf32>
    %get3A_84 = arith.constant 2048 : index
    %get3A_85 = arith.constant 0 : index
    %get3A_86 = vector.load %arg5[%get3A_84, %get3A_85] : memref<8192x256xf32, #tpu.memory_space<vmem>>, vector<512x256xf32>
    %get3A_87 = arith.constant 0 : index
    %get3A_88 = arith.constant 4 : index
    %get3A_89 = vector.load %arg4[%get3A_87, %get3A_88] : memref<512x16xf32, #tpu.memory_space<vmem>>, vector<512x1xf32>
    %dot_general3A_90 = arith.constant dense<0.000000e+00> : vector<512x1024xf32>
    %dot_general3A_91 = tpu.matmul %get3A_86, %get3A_5, %dot_general3A_90 {dimension_numbers = #tpu.dot_dimension_numbers<[1], [0], [0], [1], [0, 0, 1, 1], [], []>, transpose_lhs_hint = false} : vector<512x256xf32>, vector<256x1024xf32>, vector<512x1024xf32> -> vector<512x1024xf32>
    %add3A_92 = vector.broadcast %get3A_89 : vector<512x1xf32> to vector<512x1024xf32>
    %add3A_93 = arith.addf %add3A_92, %dot_general3A_91 : vector<512x1024xf32>
    %reduce_min3A_94 = arith.constant dense<0x7F800000> : vector<1024xf32>
    %reduce_min3A_95 = vector.multi_reduction <minimumf>, %add3A_93, %reduce_min3A_94 [0] : vector<512x1024xf32> to vector<1024xf32>
    %broadcast_in_dim3A_96 = vector.shape_cast %reduce_min3A_95 : vector<1024xf32> to vector<1x1024xf32>
    %argmin3A_97 = tpu.reduce_index %add3A_93 {axis = 0 : i32, kind = #tpu.reduction_kind<arg_min>} : vector<512x1024xf32> -> vector<1024xi32>
    %convert_element_type3A_98 = arith.sitofp %argmin3A_97 : vector<1024xi32> to vector<1024xf32>
    %add3A_99 = arith.constant 2.048000e+03 : f32
    %add3A_100 = vector.broadcast %add3A_99 : f32 to vector<1024xf32>
    %add3A_101 = arith.addf %convert_element_type3A_98, %add3A_100 : vector<1024xf32>
    %broadcast_in_dim3A_102 = vector.shape_cast %add3A_101 : vector<1024xf32> to vector<1x1024xf32>
    %lt3A_103 = arith.cmpf olt, %broadcast_in_dim3A_96, %select_n3A_83 : vector<1x1024xf32>
    %select_n3A_104 = arith.select %lt3A_103, %broadcast_in_dim3A_102, %select_n3A_82 : vector<1x1024xi1>, vector<1x1024xf32>
    %select_n3A_105 = arith.select %lt3A_103, %broadcast_in_dim3A_96, %select_n3A_83 : vector<1x1024xi1>, vector<1x1024xf32>
    %get3A_106 = arith.constant 2560 : index
    %get3A_107 = arith.constant 0 : index
    %get3A_108 = vector.load %arg5[%get3A_106, %get3A_107] : memref<8192x256xf32, #tpu.memory_space<vmem>>, vector<512x256xf32>
    %get3A_109 = arith.constant 0 : index
    %get3A_110 = arith.constant 5 : index
    %get3A_111 = vector.load %arg4[%get3A_109, %get3A_110] : memref<512x16xf32, #tpu.memory_space<vmem>>, vector<512x1xf32>
    %dot_general3A_112 = arith.constant dense<0.000000e+00> : vector<512x1024xf32>
    %dot_general3A_113 = tpu.matmul %get3A_108, %get3A_5, %dot_general3A_112 {dimension_numbers = #tpu.dot_dimension_numbers<[1], [0], [0], [1], [0, 0, 1, 1], [], []>, transpose_lhs_hint = false} : vector<512x256xf32>, vector<256x1024xf32>, vector<512x1024xf32> -> vector<512x1024xf32>
    %add3A_114 = vector.broadcast %get3A_111 : vector<512x1xf32> to vector<512x1024xf32>
    %add3A_115 = arith.addf %add3A_114, %dot_general3A_113 : vector<512x1024xf32>
    %reduce_min3A_116 = arith.constant dense<0x7F800000> : vector<1024xf32>
    %reduce_min3A_117 = vector.multi_reduction <minimumf>, %add3A_115, %reduce_min3A_116 [0] : vector<512x1024xf32> to vector<1024xf32>
    %broadcast_in_dim3A_118 = vector.shape_cast %reduce_min3A_117 : vector<1024xf32> to vector<1x1024xf32>
    %argmin3A_119 = tpu.reduce_index %add3A_115 {axis = 0 : i32, kind = #tpu.reduction_kind<arg_min>} : vector<512x1024xf32> -> vector<1024xi32>
    %convert_element_type3A_120 = arith.sitofp %argmin3A_119 : vector<1024xi32> to vector<1024xf32>
    %add3A_121 = arith.constant 2.560000e+03 : f32
    %add3A_122 = vector.broadcast %add3A_121 : f32 to vector<1024xf32>
    %add3A_123 = arith.addf %convert_element_type3A_120, %add3A_122 : vector<1024xf32>
    %broadcast_in_dim3A_124 = vector.shape_cast %add3A_123 : vector<1024xf32> to vector<1x1024xf32>
    %lt3A_125 = arith.cmpf olt, %broadcast_in_dim3A_118, %select_n3A_105 : vector<1x1024xf32>
    %select_n3A_126 = arith.select %lt3A_125, %broadcast_in_dim3A_124, %select_n3A_104 : vector<1x1024xi1>, vector<1x1024xf32>
    %select_n3A_127 = arith.select %lt3A_125, %broadcast_in_dim3A_118, %select_n3A_105 : vector<1x1024xi1>, vector<1x1024xf32>
    %get3A_128 = arith.constant 3072 : index
    %get3A_129 = arith.constant 0 : index
    %get3A_130 = vector.load %arg5[%get3A_128, %get3A_129] : memref<8192x256xf32, #tpu.memory_space<vmem>>, vector<512x256xf32>
    %get3A_131 = arith.constant 0 : index
    %get3A_132 = arith.constant 6 : index
    %get3A_133 = vector.load %arg4[%get3A_131, %get3A_132] : memref<512x16xf32, #tpu.memory_space<vmem>>, vector<512x1xf32>
    %dot_general3A_134 = arith.constant dense<0.000000e+00> : vector<512x1024xf32>
    %dot_general3A_135 = tpu.matmul %get3A_130, %get3A_5, %dot_general3A_134 {dimension_numbers = #tpu.dot_dimension_numbers<[1], [0], [0], [1], [0, 0, 1, 1], [], []>, transpose_lhs_hint = false} : vector<512x256xf32>, vector<256x1024xf32>, vector<512x1024xf32> -> vector<512x1024xf32>
    %add3A_136 = vector.broadcast %get3A_133 : vector<512x1xf32> to vector<512x1024xf32>
    %add3A_137 = arith.addf %add3A_136, %dot_general3A_135 : vector<512x1024xf32>
    %reduce_min3A_138 = arith.constant dense<0x7F800000> : vector<1024xf32>
    %reduce_min3A_139 = vector.multi_reduction <minimumf>, %add3A_137, %reduce_min3A_138 [0] : vector<512x1024xf32> to vector<1024xf32>
    %broadcast_in_dim3A_140 = vector.shape_cast %reduce_min3A_139 : vector<1024xf32> to vector<1x1024xf32>
    %argmin3A_141 = tpu.reduce_index %add3A_137 {axis = 0 : i32, kind = #tpu.reduction_kind<arg_min>} : vector<512x1024xf32> -> vector<1024xi32>
    %convert_element_type3A_142 = arith.sitofp %argmin3A_141 : vector<1024xi32> to vector<1024xf32>
    %add3A_143 = arith.constant 3.072000e+03 : f32
    %add3A_144 = vector.broadcast %add3A_143 : f32 to vector<1024xf32>
    %add3A_145 = arith.addf %convert_element_type3A_142, %add3A_144 : vector<1024xf32>
    %broadcast_in_dim3A_146 = vector.shape_cast %add3A_145 : vector<1024xf32> to vector<1x1024xf32>
    %lt3A_147 = arith.cmpf olt, %broadcast_in_dim3A_140, %select_n3A_127 : vector<1x1024xf32>
    %select_n3A_148 = arith.select %lt3A_147, %broadcast_in_dim3A_146, %select_n3A_126 : vector<1x1024xi1>, vector<1x1024xf32>
    %select_n3A_149 = arith.select %lt3A_147, %broadcast_in_dim3A_140, %select_n3A_127 : vector<1x1024xi1>, vector<1x1024xf32>
    %get3A_150 = arith.constant 3584 : index
    %get3A_151 = arith.constant 0 : index
    %get3A_152 = vector.load %arg5[%get3A_150, %get3A_151] : memref<8192x256xf32, #tpu.memory_space<vmem>>, vector<512x256xf32>
    %get3A_153 = arith.constant 0 : index
    %get3A_154 = arith.constant 7 : index
    %get3A_155 = vector.load %arg4[%get3A_153, %get3A_154] : memref<512x16xf32, #tpu.memory_space<vmem>>, vector<512x1xf32>
    %dot_general3A_156 = arith.constant dense<0.000000e+00> : vector<512x1024xf32>
    %dot_general3A_157 = tpu.matmul %get3A_152, %get3A_5, %dot_general3A_156 {dimension_numbers = #tpu.dot_dimension_numbers<[1], [0], [0], [1], [0, 0, 1, 1], [], []>, transpose_lhs_hint = false} : vector<512x256xf32>, vector<256x1024xf32>, vector<512x1024xf32> -> vector<512x1024xf32>
    %add3A_158 = vector.broadcast %get3A_155 : vector<512x1xf32> to vector<512x1024xf32>
    %add3A_159 = arith.addf %add3A_158, %dot_general3A_157 : vector<512x1024xf32>
    %reduce_min3A_160 = arith.constant dense<0x7F800000> : vector<1024xf32>
    %reduce_min3A_161 = vector.multi_reduction <minimumf>, %add3A_159, %reduce_min3A_160 [0] : vector<512x1024xf32> to vector<1024xf32>
    %broadcast_in_dim3A_162 = vector.shape_cast %reduce_min3A_161 : vector<1024xf32> to vector<1x1024xf32>
    %argmin3A_163 = tpu.reduce_index %add3A_159 {axis = 0 : i32, kind = #tpu.reduction_kind<arg_min>} : vector<512x1024xf32> -> vector<1024xi32>
    %convert_element_type3A_164 = arith.sitofp %argmin3A_163 : vector<1024xi32> to vector<1024xf32>
    %add3A_165 = arith.constant 3.584000e+03 : f32
    %add3A_166 = vector.broadcast %add3A_165 : f32 to vector<1024xf32>
    %add3A_167 = arith.addf %convert_element_type3A_164, %add3A_166 : vector<1024xf32>
    %broadcast_in_dim3A_168 = vector.shape_cast %add3A_167 : vector<1024xf32> to vector<1x1024xf32>
    %lt3A_169 = arith.cmpf olt, %broadcast_in_dim3A_162, %select_n3A_149 : vector<1x1024xf32>
    %select_n3A_170 = arith.select %lt3A_169, %broadcast_in_dim3A_168, %select_n3A_148 : vector<1x1024xi1>, vector<1x1024xf32>
    %select_n3A_171 = arith.select %lt3A_169, %broadcast_in_dim3A_162, %select_n3A_149 : vector<1x1024xi1>, vector<1x1024xf32>
    %get3A_172 = arith.constant 4096 : index
    %get3A_173 = arith.constant 0 : index
    %get3A_174 = vector.load %arg5[%get3A_172, %get3A_173] : memref<8192x256xf32, #tpu.memory_space<vmem>>, vector<512x256xf32>
    %get3A_175 = arith.constant 0 : index
    %get3A_176 = arith.constant 8 : index
    %get3A_177 = vector.load %arg4[%get3A_175, %get3A_176] : memref<512x16xf32, #tpu.memory_space<vmem>>, vector<512x1xf32>
    %dot_general3A_178 = arith.constant dense<0.000000e+00> : vector<512x1024xf32>
    %dot_general3A_179 = tpu.matmul %get3A_174, %get3A_5, %dot_general3A_178 {dimension_numbers = #tpu.dot_dimension_numbers<[1], [0], [0], [1], [0, 0, 1, 1], [], []>, transpose_lhs_hint = false} : vector<512x256xf32>, vector<256x1024xf32>, vector<512x1024xf32> -> vector<512x1024xf32>
    %add3A_180 = vector.broadcast %get3A_177 : vector<512x1xf32> to vector<512x1024xf32>
    %add3A_181 = arith.addf %add3A_180, %dot_general3A_179 : vector<512x1024xf32>
    %reduce_min3A_182 = arith.constant dense<0x7F800000> : vector<1024xf32>
    %reduce_min3A_183 = vector.multi_reduction <minimumf>, %add3A_181, %reduce_min3A_182 [0] : vector<512x1024xf32> to vector<1024xf32>
    %broadcast_in_dim3A_184 = vector.shape_cast %reduce_min3A_183 : vector<1024xf32> to vector<1x1024xf32>
    %argmin3A_185 = tpu.reduce_index %add3A_181 {axis = 0 : i32, kind = #tpu.reduction_kind<arg_min>} : vector<512x1024xf32> -> vector<1024xi32>
    %convert_element_type3A_186 = arith.sitofp %argmin3A_185 : vector<1024xi32> to vector<1024xf32>
    %add3A_187 = arith.constant 4.096000e+03 : f32
    %add3A_188 = vector.broadcast %add3A_187 : f32 to vector<1024xf32>
    %add3A_189 = arith.addf %convert_element_type3A_186, %add3A_188 : vector<1024xf32>
    %broadcast_in_dim3A_190 = vector.shape_cast %add3A_189 : vector<1024xf32> to vector<1x1024xf32>
    %lt3A_191 = arith.cmpf olt, %broadcast_in_dim3A_184, %select_n3A_171 : vector<1x1024xf32>
    %select_n3A_192 = arith.select %lt3A_191, %broadcast_in_dim3A_190, %select_n3A_170 : vector<1x1024xi1>, vector<1x1024xf32>
    %select_n3A_193 = arith.select %lt3A_191, %broadcast_in_dim3A_184, %select_n3A_171 : vector<1x1024xi1>, vector<1x1024xf32>
    %get3A_194 = arith.constant 4608 : index
    %get3A_195 = arith.constant 0 : index
    %get3A_196 = vector.load %arg5[%get3A_194, %get3A_195] : memref<8192x256xf32, #tpu.memory_space<vmem>>, vector<512x256xf32>
    %get3A_197 = arith.constant 0 : index
    %get3A_198 = arith.constant 9 : index
    %get3A_199 = vector.load %arg4[%get3A_197, %get3A_198] : memref<512x16xf32, #tpu.memory_space<vmem>>, vector<512x1xf32>
    %dot_general3A_200 = arith.constant dense<0.000000e+00> : vector<512x1024xf32>
    %dot_general3A_201 = tpu.matmul %get3A_196, %get3A_5, %dot_general3A_200 {dimension_numbers = #tpu.dot_dimension_numbers<[1], [0], [0], [1], [0, 0, 1, 1], [], []>, transpose_lhs_hint = false} : vector<512x256xf32>, vector<256x1024xf32>, vector<512x1024xf32> -> vector<512x1024xf32>
    %add3A_202 = vector.broadcast %get3A_199 : vector<512x1xf32> to vector<512x1024xf32>
    %add3A_203 = arith.addf %add3A_202, %dot_general3A_201 : vector<512x1024xf32>
    %reduce_min3A_204 = arith.constant dense<0x7F800000> : vector<1024xf32>
    %reduce_min3A_205 = vector.multi_reduction <minimumf>, %add3A_203, %reduce_min3A_204 [0] : vector<512x1024xf32> to vector<1024xf32>
    %broadcast_in_dim3A_206 = vector.shape_cast %reduce_min3A_205 : vector<1024xf32> to vector<1x1024xf32>
    %argmin3A_207 = tpu.reduce_index %add3A_203 {axis = 0 : i32, kind = #tpu.reduction_kind<arg_min>} : vector<512x1024xf32> -> vector<1024xi32>
    %convert_element_type3A_208 = arith.sitofp %argmin3A_207 : vector<1024xi32> to vector<1024xf32>
    %add3A_209 = arith.constant 4.608000e+03 : f32
    %add3A_210 = vector.broadcast %add3A_209 : f32 to vector<1024xf32>
    %add3A_211 = arith.addf %convert_element_type3A_208, %add3A_210 : vector<1024xf32>
    %broadcast_in_dim3A_212 = vector.shape_cast %add3A_211 : vector<1024xf32> to vector<1x1024xf32>
    %lt3A_213 = arith.cmpf olt, %broadcast_in_dim3A_206, %select_n3A_193 : vector<1x1024xf32>
    %select_n3A_214 = arith.select %lt3A_213, %broadcast_in_dim3A_212, %select_n3A_192 : vector<1x1024xi1>, vector<1x1024xf32>
    %select_n3A_215 = arith.select %lt3A_213, %broadcast_in_dim3A_206, %select_n3A_193 : vector<1x1024xi1>, vector<1x1024xf32>
    %get3A_216 = arith.constant 5120 : index
    %get3A_217 = arith.constant 0 : index
    %get3A_218 = vector.load %arg5[%get3A_216, %get3A_217] : memref<8192x256xf32, #tpu.memory_space<vmem>>, vector<512x256xf32>
    %get3A_219 = arith.constant 0 : index
    %get3A_220 = arith.constant 10 : index
    %get3A_221 = vector.load %arg4[%get3A_219, %get3A_220] : memref<512x16xf32, #tpu.memory_space<vmem>>, vector<512x1xf32>
    %dot_general3A_222 = arith.constant dense<0.000000e+00> : vector<512x1024xf32>
    %dot_general3A_223 = tpu.matmul %get3A_218, %get3A_5, %dot_general3A_222 {dimension_numbers = #tpu.dot_dimension_numbers<[1], [0], [0], [1], [0, 0, 1, 1], [], []>, transpose_lhs_hint = false} : vector<512x256xf32>, vector<256x1024xf32>, vector<512x1024xf32> -> vector<512x1024xf32>
    %add3A_224 = vector.broadcast %get3A_221 : vector<512x1xf32> to vector<512x1024xf32>
    %add3A_225 = arith.addf %add3A_224, %dot_general3A_223 : vector<512x1024xf32>
    %reduce_min3A_226 = arith.constant dense<0x7F800000> : vector<1024xf32>
    %reduce_min3A_227 = vector.multi_reduction <minimumf>, %add3A_225, %reduce_min3A_226 [0] : vector<512x1024xf32> to vector<1024xf32>
    %broadcast_in_dim3A_228 = vector.shape_cast %reduce_min3A_227 : vector<1024xf32> to vector<1x1024xf32>
    %argmin3A_229 = tpu.reduce_index %add3A_225 {axis = 0 : i32, kind = #tpu.reduction_kind<arg_min>} : vector<512x1024xf32> -> vector<1024xi32>
    %convert_element_type3A_230 = arith.sitofp %argmin3A_229 : vector<1024xi32> to vector<1024xf32>
    %add3A_231 = arith.constant 5.120000e+03 : f32
    %add3A_232 = vector.broadcast %add3A_231 : f32 to vector<1024xf32>
    %add3A_233 = arith.addf %convert_element_type3A_230, %add3A_232 : vector<1024xf32>
    %broadcast_in_dim3A_234 = vector.shape_cast %add3A_233 : vector<1024xf32> to vector<1x1024xf32>
    %lt3A_235 = arith.cmpf olt, %broadcast_in_dim3A_228, %select_n3A_215 : vector<1x1024xf32>
    %select_n3A_236 = arith.select %lt3A_235, %broadcast_in_dim3A_234, %select_n3A_214 : vector<1x1024xi1>, vector<1x1024xf32>
    %select_n3A_237 = arith.select %lt3A_235, %broadcast_in_dim3A_228, %select_n3A_215 : vector<1x1024xi1>, vector<1x1024xf32>
    %get3A_238 = arith.constant 5632 : index
    %get3A_239 = arith.constant 0 : index
    %get3A_240 = vector.load %arg5[%get3A_238, %get3A_239] : memref<8192x256xf32, #tpu.memory_space<vmem>>, vector<512x256xf32>
    %get3A_241 = arith.constant 0 : index
    %get3A_242 = arith.constant 11 : index
    %get3A_243 = vector.load %arg4[%get3A_241, %get3A_242] : memref<512x16xf32, #tpu.memory_space<vmem>>, vector<512x1xf32>
    %dot_general3A_244 = arith.constant dense<0.000000e+00> : vector<512x1024xf32>
    %dot_general3A_245 = tpu.matmul %get3A_240, %get3A_5, %dot_general3A_244 {dimension_numbers = #tpu.dot_dimension_numbers<[1], [0], [0], [1], [0, 0, 1, 1], [], []>, transpose_lhs_hint = false} : vector<512x256xf32>, vector<256x1024xf32>, vector<512x1024xf32> -> vector<512x1024xf32>
    %add3A_246 = vector.broadcast %get3A_243 : vector<512x1xf32> to vector<512x1024xf32>
    %add3A_247 = arith.addf %add3A_246, %dot_general3A_245 : vector<512x1024xf32>
    %reduce_min3A_248 = arith.constant dense<0x7F800000> : vector<1024xf32>
    %reduce_min3A_249 = vector.multi_reduction <minimumf>, %add3A_247, %reduce_min3A_248 [0] : vector<512x1024xf32> to vector<1024xf32>
    %broadcast_in_dim3A_250 = vector.shape_cast %reduce_min3A_249 : vector<1024xf32> to vector<1x1024xf32>
    %argmin3A_251 = tpu.reduce_index %add3A_247 {axis = 0 : i32, kind = #tpu.reduction_kind<arg_min>} : vector<512x1024xf32> -> vector<1024xi32>
    %convert_element_type3A_252 = arith.sitofp %argmin3A_251 : vector<1024xi32> to vector<1024xf32>
    %add3A_253 = arith.constant 5.632000e+03 : f32
    %add3A_254 = vector.broadcast %add3A_253 : f32 to vector<1024xf32>
    %add3A_255 = arith.addf %convert_element_type3A_252, %add3A_254 : vector<1024xf32>
    %broadcast_in_dim3A_256 = vector.shape_cast %add3A_255 : vector<1024xf32> to vector<1x1024xf32>
    %lt3A_257 = arith.cmpf olt, %broadcast_in_dim3A_250, %select_n3A_237 : vector<1x1024xf32>
    %select_n3A_258 = arith.select %lt3A_257, %broadcast_in_dim3A_256, %select_n3A_236 : vector<1x1024xi1>, vector<1x1024xf32>
    %select_n3A_259 = arith.select %lt3A_257, %broadcast_in_dim3A_250, %select_n3A_237 : vector<1x1024xi1>, vector<1x1024xf32>
    %get3A_260 = arith.constant 6144 : index
    %get3A_261 = arith.constant 0 : index
    %get3A_262 = vector.load %arg5[%get3A_260, %get3A_261] : memref<8192x256xf32, #tpu.memory_space<vmem>>, vector<512x256xf32>
    %get3A_263 = arith.constant 0 : index
    %get3A_264 = arith.constant 12 : index
    %get3A_265 = vector.load %arg4[%get3A_263, %get3A_264] : memref<512x16xf32, #tpu.memory_space<vmem>>, vector<512x1xf32>
    %dot_general3A_266 = arith.constant dense<0.000000e+00> : vector<512x1024xf32>
    %dot_general3A_267 = tpu.matmul %get3A_262, %get3A_5, %dot_general3A_266 {dimension_numbers = #tpu.dot_dimension_numbers<[1], [0], [0], [1], [0, 0, 1, 1], [], []>, transpose_lhs_hint = false} : vector<512x256xf32>, vector<256x1024xf32>, vector<512x1024xf32> -> vector<512x1024xf32>
    %add3A_268 = vector.broadcast %get3A_265 : vector<512x1xf32> to vector<512x1024xf32>
    %add3A_269 = arith.addf %add3A_268, %dot_general3A_267 : vector<512x1024xf32>
    %reduce_min3A_270 = arith.constant dense<0x7F800000> : vector<1024xf32>
    %reduce_min3A_271 = vector.multi_reduction <minimumf>, %add3A_269, %reduce_min3A_270 [0] : vector<512x1024xf32> to vector<1024xf32>
    %broadcast_in_dim3A_272 = vector.shape_cast %reduce_min3A_271 : vector<1024xf32> to vector<1x1024xf32>
    %argmin3A_273 = tpu.reduce_index %add3A_269 {axis = 0 : i32, kind = #tpu.reduction_kind<arg_min>} : vector<512x1024xf32> -> vector<1024xi32>
    %convert_element_type3A_274 = arith.sitofp %argmin3A_273 : vector<1024xi32> to vector<1024xf32>
    %add3A_275 = arith.constant 6.144000e+03 : f32
    %add3A_276 = vector.broadcast %add3A_275 : f32 to vector<1024xf32>
    %add3A_277 = arith.addf %convert_element_type3A_274, %add3A_276 : vector<1024xf32>
    %broadcast_in_dim3A_278 = vector.shape_cast %add3A_277 : vector<1024xf32> to vector<1x1024xf32>
    %lt3A_279 = arith.cmpf olt, %broadcast_in_dim3A_272, %select_n3A_259 : vector<1x1024xf32>
    %select_n3A_280 = arith.select %lt3A_279, %broadcast_in_dim3A_278, %select_n3A_258 : vector<1x1024xi1>, vector<1x1024xf32>
    %select_n3A_281 = arith.select %lt3A_279, %broadcast_in_dim3A_272, %select_n3A_259 : vector<1x1024xi1>, vector<1x1024xf32>
    %get3A_282 = arith.constant 6656 : index
    %get3A_283 = arith.constant 0 : index
    %get3A_284 = vector.load %arg5[%get3A_282, %get3A_283] : memref<8192x256xf32, #tpu.memory_space<vmem>>, vector<512x256xf32>
    %get3A_285 = arith.constant 0 : index
    %get3A_286 = arith.constant 13 : index
    %get3A_287 = vector.load %arg4[%get3A_285, %get3A_286] : memref<512x16xf32, #tpu.memory_space<vmem>>, vector<512x1xf32>
    %dot_general3A_288 = arith.constant dense<0.000000e+00> : vector<512x1024xf32>
    %dot_general3A_289 = tpu.matmul %get3A_284, %get3A_5, %dot_general3A_288 {dimension_numbers = #tpu.dot_dimension_numbers<[1], [0], [0], [1], [0, 0, 1, 1], [], []>, transpose_lhs_hint = false} : vector<512x256xf32>, vector<256x1024xf32>, vector<512x1024xf32> -> vector<512x1024xf32>
    %add3A_290 = vector.broadcast %get3A_287 : vector<512x1xf32> to vector<512x1024xf32>
    %add3A_291 = arith.addf %add3A_290, %dot_general3A_289 : vector<512x1024xf32>
    %reduce_min3A_292 = arith.constant dense<0x7F800000> : vector<1024xf32>
    %reduce_min3A_293 = vector.multi_reduction <minimumf>, %add3A_291, %reduce_min3A_292 [0] : vector<512x1024xf32> to vector<1024xf32>
    %broadcast_in_dim3A_294 = vector.shape_cast %reduce_min3A_293 : vector<1024xf32> to vector<1x1024xf32>
    %argmin3A_295 = tpu.reduce_index %add3A_291 {axis = 0 : i32, kind = #tpu.reduction_kind<arg_min>} : vector<512x1024xf32> -> vector<1024xi32>
    %convert_element_type3A_296 = arith.sitofp %argmin3A_295 : vector<1024xi32> to vector<1024xf32>
    %add3A_297 = arith.constant 6.656000e+03 : f32
    %add3A_298 = vector.broadcast %add3A_297 : f32 to vector<1024xf32>
    %add3A_299 = arith.addf %convert_element_type3A_296, %add3A_298 : vector<1024xf32>
    %broadcast_in_dim3A_300 = vector.shape_cast %add3A_299 : vector<1024xf32> to vector<1x1024xf32>
    %lt3A_301 = arith.cmpf olt, %broadcast_in_dim3A_294, %select_n3A_281 : vector<1x1024xf32>
    %select_n3A_302 = arith.select %lt3A_301, %broadcast_in_dim3A_300, %select_n3A_280 : vector<1x1024xi1>, vector<1x1024xf32>
    %select_n3A_303 = arith.select %lt3A_301, %broadcast_in_dim3A_294, %select_n3A_281 : vector<1x1024xi1>, vector<1x1024xf32>
    %get3A_304 = arith.constant 7168 : index
    %get3A_305 = arith.constant 0 : index
    %get3A_306 = vector.load %arg5[%get3A_304, %get3A_305] : memref<8192x256xf32, #tpu.memory_space<vmem>>, vector<512x256xf32>
    %get3A_307 = arith.constant 0 : index
    %get3A_308 = arith.constant 14 : index
    %get3A_309 = vector.load %arg4[%get3A_307, %get3A_308] : memref<512x16xf32, #tpu.memory_space<vmem>>, vector<512x1xf32>
    %dot_general3A_310 = arith.constant dense<0.000000e+00> : vector<512x1024xf32>
    %dot_general3A_311 = tpu.matmul %get3A_306, %get3A_5, %dot_general3A_310 {dimension_numbers = #tpu.dot_dimension_numbers<[1], [0], [0], [1], [0, 0, 1, 1], [], []>, transpose_lhs_hint = false} : vector<512x256xf32>, vector<256x1024xf32>, vector<512x1024xf32> -> vector<512x1024xf32>
    %add3A_312 = vector.broadcast %get3A_309 : vector<512x1xf32> to vector<512x1024xf32>
    %add3A_313 = arith.addf %add3A_312, %dot_general3A_311 : vector<512x1024xf32>
    %reduce_min3A_314 = arith.constant dense<0x7F800000> : vector<1024xf32>
    %reduce_min3A_315 = vector.multi_reduction <minimumf>, %add3A_313, %reduce_min3A_314 [0] : vector<512x1024xf32> to vector<1024xf32>
    %broadcast_in_dim3A_316 = vector.shape_cast %reduce_min3A_315 : vector<1024xf32> to vector<1x1024xf32>
    %argmin3A_317 = tpu.reduce_index %add3A_313 {axis = 0 : i32, kind = #tpu.reduction_kind<arg_min>} : vector<512x1024xf32> -> vector<1024xi32>
    %convert_element_type3A_318 = arith.sitofp %argmin3A_317 : vector<1024xi32> to vector<1024xf32>
    %add3A_319 = arith.constant 7.168000e+03 : f32
    %add3A_320 = vector.broadcast %add3A_319 : f32 to vector<1024xf32>
    %add3A_321 = arith.addf %convert_element_type3A_318, %add3A_320 : vector<1024xf32>
    %broadcast_in_dim3A_322 = vector.shape_cast %add3A_321 : vector<1024xf32> to vector<1x1024xf32>
    %lt3A_323 = arith.cmpf olt, %broadcast_in_dim3A_316, %select_n3A_303 : vector<1x1024xf32>
    %select_n3A_324 = arith.select %lt3A_323, %broadcast_in_dim3A_322, %select_n3A_302 : vector<1x1024xi1>, vector<1x1024xf32>
    %select_n3A_325 = arith.select %lt3A_323, %broadcast_in_dim3A_316, %select_n3A_303 : vector<1x1024xi1>, vector<1x1024xf32>
    %get3A_326 = arith.constant 7680 : index
    %get3A_327 = arith.constant 0 : index
    %get3A_328 = vector.load %arg5[%get3A_326, %get3A_327] : memref<8192x256xf32, #tpu.memory_space<vmem>>, vector<512x256xf32>
    %get3A_329 = arith.constant 0 : index
    %get3A_330 = arith.constant 15 : index
    %get3A_331 = vector.load %arg4[%get3A_329, %get3A_330] : memref<512x16xf32, #tpu.memory_space<vmem>>, vector<512x1xf32>
    %dot_general3A_332 = arith.constant dense<0.000000e+00> : vector<512x1024xf32>
    %dot_general3A_333 = tpu.matmul %get3A_328, %get3A_5, %dot_general3A_332 {dimension_numbers = #tpu.dot_dimension_numbers<[1], [0], [0], [1], [0, 0, 1, 1], [], []>, transpose_lhs_hint = false} : vector<512x256xf32>, vector<256x1024xf32>, vector<512x1024xf32> -> vector<512x1024xf32>
    %add3A_334 = vector.broadcast %get3A_331 : vector<512x1xf32> to vector<512x1024xf32>
    %add3A_335 = arith.addf %add3A_334, %dot_general3A_333 : vector<512x1024xf32>
    %reduce_min3A_336 = arith.constant dense<0x7F800000> : vector<1024xf32>
    %reduce_min3A_337 = vector.multi_reduction <minimumf>, %add3A_335, %reduce_min3A_336 [0] : vector<512x1024xf32> to vector<1024xf32>
    %broadcast_in_dim3A_338 = vector.shape_cast %reduce_min3A_337 : vector<1024xf32> to vector<1x1024xf32>
    %argmin3A_339 = tpu.reduce_index %add3A_335 {axis = 0 : i32, kind = #tpu.reduction_kind<arg_min>} : vector<512x1024xf32> -> vector<1024xi32>
    %convert_element_type3A_340 = arith.sitofp %argmin3A_339 : vector<1024xi32> to vector<1024xf32>
    %add3A_341 = arith.constant 7.680000e+03 : f32
    %add3A_342 = vector.broadcast %add3A_341 : f32 to vector<1024xf32>
    %add3A_343 = arith.addf %convert_element_type3A_340, %add3A_342 : vector<1024xf32>
    %broadcast_in_dim3A_344 = vector.shape_cast %add3A_343 : vector<1024xf32> to vector<1x1024xf32>
    %lt3A_345 = arith.cmpf olt, %broadcast_in_dim3A_338, %select_n3A_325 : vector<1x1024xf32>
    %select_n3A_346 = arith.select %lt3A_345, %broadcast_in_dim3A_344, %select_n3A_324 : vector<1x1024xi1>, vector<1x1024xf32>
    %convert_element_type3A_347 = arith.fptosi %select_n3A_346 : vector<1x1024xf32> to vector<1x1024xi32>
    %swap3A = arith.constant 0 : index
    %swap3A_348 = arith.constant 0 : index
    %swap3A_349 = arith.constant 0 : index
    %swap3A_350 = vector.load %arg3[%swap3A, %swap3A_348, %swap3A_349] : memref<1x1x1024xi32, #tpu.memory_space<vmem>>, vector<1x1x1024xi32>
    %swap3A_351 = vector.shape_cast %swap3A_350 : vector<1x1x1024xi32> to vector<1x1024xi32>
    %swap3A_352 = vector.shape_cast %convert_element_type3A_347 : vector<1x1024xi32> to vector<1x1x1024xi32>
    tpu.vector_store %arg3[%swap3A, %swap3A_348, %swap3A_349], %swap3A_352 {strides = array<i32>} : memref<1x1x1024xi32, #tpu.memory_space<vmem>>, vector<1x1x1024xi32>,
    return
  }
  func.func @transform_0(%arg0: i32) -> (i32, i32, i32) {
    %c0_i32 = arith.constant 0 : i32
    %c0_i32_0 = arith.constant 0 : i32
    %c0_i32_1 = arith.constant 0 : i32
    return %arg0, %c0_i32, %c0_i32_0 : i32, i32, i32
  }
  func.func @transform_1(%arg0: i32) -> (i32, i32) {
    %c0_i32 = arith.constant 0 : i32
    %c0_i32_0 = arith.constant 0 : i32
    %c0_i32_1 = arith.constant 0 : i32
    return %c0_i32, %c0_i32_0 : i32, i32
  }
  func.func @transform_2(%arg0: i32) -> (i32, i32, i32) {
    %c0_i32 = arith.constant 0 : i32
    %c0_i32_0 = arith.constant 0 : i32
    %c0_i32_1 = arith.constant 0 : i32
    return %arg0, %c0_i32, %c0_i32_0 : i32, i32, i32
  }
}

module attributes {stable_mosaic.version = 14 : i64} {
  func.func @_finish_body(%arg0: i32, %arg1: memref<1x1024x256xf32, #tpu.memory_space<vmem>>, %arg2: memref<1x256x1024xf32, #tpu.memory_space<vmem>>, %arg3: memref<1x256x1024xf32, #tpu.memory_space<vmem>>, %arg4: memref<1x1xf32, #tpu.memory_space<vmem>>) attributes {dimension_semantics = [#tpu.dimension_semantics<arbitrary>], iteration_bounds = array<i64: 8>, scalar_prefetch = 0 : i64, scratch_operands = 0 : i64, tpu.core_type = #tpu.core_type<tc>, window_params = [{transform_indices = @transform_0, window_bounds = array<i64: 1, 1024, 256>}, {transform_indices = @transform_1, window_bounds = array<i64: 1, 256, 1024>}, {transform_indices = @transform_2, window_bounds = array<i64: 1, 256, 1024>}, {pipeline_mode = #tpu.pipeline_mode<synchronous>, transform_indices = @transform_3, window_bounds = array<i64: 1, 1>}]} {
    %get3A = arith.constant 0 : index
    %get3A_0 = arith.constant 0 : index
    %get3A_1 = arith.constant 0 : index
    %get3A_2 = vector.load %arg1[%get3A, %get3A_0, %get3A_1] : memref<1x1024x256xf32, #tpu.memory_space<vmem>>, vector<1x1024x256xf32>
    %get3A_3 = vector.shape_cast %get3A_2 : vector<1x1024x256xf32> to vector<1024x256xf32>
    %transpose3A = tpu.transpose %get3A_3, [1, 0] : vector<1024x256xf32> -> vector<256x1024xf32>
    %get3A_4 = arith.constant 0 : index
    %get3A_5 = arith.constant 0 : index
    %get3A_6 = arith.constant 0 : index
    %get3A_7 = vector.load %arg2[%get3A_4, %get3A_5, %get3A_6] : memref<1x256x1024xf32, #tpu.memory_space<vmem>>, vector<1x256x1024xf32>
    %get3A_8 = vector.shape_cast %get3A_7 : vector<1x256x1024xf32> to vector<256x1024xf32>
    %sub3A = arith.subf %transpose3A, %get3A_8 : vector<256x1024xf32>
    %add3A = arith.addf %get3A_8, %sub3A : vector<256x1024xf32>
    %swap3A = arith.constant 0 : index
    %swap3A_9 = arith.constant 0 : index
    %swap3A_10 = arith.constant 0 : index
    %swap3A_11 = vector.load %arg3[%swap3A, %swap3A_9, %swap3A_10] : memref<1x256x1024xf32, #tpu.memory_space<vmem>>, vector<1x256x1024xf32>
    %swap3A_12 = vector.shape_cast %swap3A_11 : vector<1x256x1024xf32> to vector<256x1024xf32>
    %swap3A_13 = vector.shape_cast %add3A : vector<256x1024xf32> to vector<1x256x1024xf32>
    tpu.vector_store %arg3[%swap3A, %swap3A_9, %swap3A_10], %swap3A_13 {strides = array<i32>} : memref<1x256x1024xf32, #tpu.memory_space<vmem>>, vector<1x256x1024xf32>,
    %mul3A = arith.mulf %sub3A, %sub3A : vector<256x1024xf32>
    %reduce_sum3A = vector.shape_cast %mul3A : vector<256x1024xf32> to vector<1x256x1024xf32>
    %reduce_sum3A_14 = arith.constant dense<0.000000e+00> : vector<1xf32>
    %reduce_sum3A_15 = vector.multi_reduction <add>, %reduce_sum3A, %reduce_sum3A_14 [1, 2] : vector<1x256x1024xf32> to vector<1xf32>
    %reduce_sum3A_16 = vector.shape_cast %reduce_sum3A_15 : vector<1xf32> to vector<1x1x1xf32>
    %reduce_sum3A_17 = vector.extract %reduce_sum3A_16[0, 0, 0] : f32 from vector<1x1x1xf32>
    %reshape3A = vector.broadcast %reduce_sum3A_17 : f32 to vector<1x1xf32>
    %eq3A = arith.constant 0 : i32
    %eq3A_18 = arith.cmpi eq, %arg0, %eq3A : i32
    %convert_element_type3A = arith.extui %eq3A_18 : i1 to i32
    %cond3A = arith.constant 0 : i32
    %cond3A_19 = arith.cmpi ne, %convert_element_type3A, %cond3A : i32
    scf.if %cond3A_19 {
      %swap3A_24 = arith.constant 0 : index
      %swap3A_25 = arith.constant 0 : index
      %swap3A_26 = vector.load %arg4[%swap3A_24, %swap3A_25] : memref<1x1xf32, #tpu.memory_space<vmem>>, vector<1x1xf32>
      tpu.vector_store %arg4[%swap3A_24, %swap3A_25], %reshape3A {strides = array<i32>} : memref<1x1xf32, #tpu.memory_space<vmem>>, vector<1x1xf32>,
    } else {
    }
    %gt3A = arith.constant 0 : i32
    %gt3A_20 = arith.cmpi sgt, %arg0, %gt3A : i32
    %convert_element_type3A_21 = arith.extui %gt3A_20 : i1 to i32
    %cond3A_22 = arith.constant 0 : i32
    %cond3A_23 = arith.cmpi ne, %convert_element_type3A_21, %cond3A_22 : i32
    scf.if %cond3A_23 {
      %get3A_24 = arith.constant 0 : index
      %get3A_25 = arith.constant 0 : index
      %get3A_26 = vector.load %arg4[%get3A_24, %get3A_25] : memref<1x1xf32, #tpu.memory_space<vmem>>, vector<1x1xf32>
      %add3A_27 = arith.addf %get3A_26, %reshape3A : vector<1x1xf32>
      %swap3A_28 = arith.constant 0 : index
      %swap3A_29 = arith.constant 0 : index
      %swap3A_30 = vector.load %arg4[%swap3A_28, %swap3A_29] : memref<1x1xf32, #tpu.memory_space<vmem>>, vector<1x1xf32>
      tpu.vector_store %arg4[%swap3A_28, %swap3A_29], %add3A_27 {strides = array<i32>} : memref<1x1xf32, #tpu.memory_space<vmem>>, vector<1x1xf32>,
    } else {
    }
    return
  }
  func.func @transform_0(%arg0: i32) -> (i32, i32, i32) {
    %c0_i32 = arith.constant 0 : i32
    %c0_i32_0 = arith.constant 0 : i32
    %c0_i32_1 = arith.constant 0 : i32
    return %arg0, %c0_i32, %c0_i32_0 : i32, i32, i32
  }
  func.func @transform_1(%arg0: i32) -> (i32, i32, i32) {
    %c0_i32 = arith.constant 0 : i32
    %c0_i32_0 = arith.constant 0 : i32
    %c0_i32_1 = arith.constant 0 : i32
    return %arg0, %c0_i32, %c0_i32_0 : i32, i32, i32
  }
  func.func @transform_2(%arg0: i32) -> (i32, i32, i32) {
    %c0_i32 = arith.constant 0 : i32
    %c0_i32_0 = arith.constant 0 : i32
    %c0_i32_1 = arith.constant 0 : i32
    return %arg0, %c0_i32, %c0_i32_0 : i32, i32, i32
  }
  func.func @transform_3(%arg0: i32) -> (i32, i32) {
    %c0_i32 = arith.constant 0 : i32
    %c0_i32_0 = arith.constant 0 : i32
    %c0_i32_1 = arith.constant 0 : i32
    return %c0_i32, %c0_i32_0 : i32, i32
  }
}

</mosaic_0001>

<sc_bundles>
// kernel: kernel.5.cloned.1.call-start
scs
__scs_entry_jumppad:
0x0: {  	(pc) =	sbr.rel $0x88, $3  }
0x1: {  	(tag) =	ssettag $0x0;
	lr =	simm.s32 $0x1  }
0x2: {  	[smem:$0x3F9F] =	sst lr;
	_ =	strace $0xD0000000  }
0x3: {  	_ = 	snop  }
0x4: {  	_ = 	snop  }
0x5: {  	_ = 	snop  }
0x6: {  	_ = 	snop  }
0x7: {  	_ = 	snop  }
__scs_overlays_trampoline_lowered:
0x8: {  	[smem:$0x3FAE] =	sst s0  }
0x9: {  	[smem:$0x3FAF] =	sst s1  }
0xa: {  	[smem:$0x3FB0] =	sst s2  }
0xb: {  	[smem:$0x3FB1] =	sst s3  }
0xc: {  	[smem:$0x3FB2] =	sst s4  }
0xd: {  	[smem:$0x3FB3] =	sst s5  }
0xe: {  	[smem:$0x3FB4] =	sst s6  }
0xf: {  	[smem:$0x3FB5] =	sst s7  }
0x10: {  	[smem:$0x3FB6] =	sst s8  }
0x11: {  	[smem:$0x3FB7] =	sst s9;
	s0 =	simm.s32 @!p0 $0x0  }
0x12: {  	s1 =	sld [smem:$0x3F9D];
	s0 =	simm.s32 @p0 $0x1  }
0x13: {  	[smem:$0x3FB8] =	sst s0;
	s0 =	simm.s32 @!p1 $0x0  }
0x14: {  	s2 =	sld [smem:$0x3F9C];
	s0 =	simm.s32 @p1 $0x1  }
0x15: {  	[smem:$0x3FB9] =	sst s0;
	s0 =	simm.s32 @!p2 $0x0  }
0x16: {  	s3 =	sld [smem:$0x3FDB];
	s0 =	simm.s32 @p2 $0x1  }
0x17: {  	s4 =	simm.s32 $0x1BF5;
	[smem:$0x3FBB] =	sst s0  }
0x18: {  	s0 =	sld [smem:$0x3F9E];
	_ =	swait.ge [sflag:s4], $0x0  }
0x19: {  	s7 =	sld [smem:$0x3F9F]  }
0x1a: {  	s8 =	sadd.s32 $0xFFFFE003, lr  }
0x1b: {  	s9 =	sadd.s32 $0xFFFFFEF7, lr;
	s5 =	simm.s32 $0xFFFFFFFF;
	p2 =	slt.u32 s8, $0xFFFFF086  }
0x1c: {  	p1 =	slt.u32 s9, $0xF7A;
	s5 =	simm.s32 @!p2 $0x0  }
0x1d: {  	s5 =	simm.s32 @p1 $0x1;
	p0 =	seq.s32 s7, s2  }
0x1e: {  	s7 =	smul.u32 @!p0 $0xF7A, s2;
	p2 =	seq.s32 @!p0 s5, $0x0  }
0x1f: {  	s9 =	smul.u32 $0xF7A, s1;
	s8 =	simm.s32 @!p0 $0x1BF5;
	p2 =	por !p2, p0  }
0x20: {  	[sflag:s8] =	ssyncset.s32 @!p0 $0xFFFFF086;
	s6 =	sadd.s32 @!p0 s3, s7;
	s7 =	simm.s32 @!p0 $0x108  }
0x21: {  	s3 =	sadd.s32 s3, s9;
	s6 =	sadd.s32 @!p0 $0x88, s6;
	s7 =	simm.s32 @p2 $0x1082  }
0x22: {  	[simem:s7], [sflag:s8] =	dma.local @!p0 [hbm:s6], $0xF7A  }
0x23: {  	s9 =	sor.u32 $0xD0000000, s2;
	s6 =	simm.s32 $0x108;
	_ =	swait.ge @!p0 [sflag:s8], $0x0  }
0x24: {  	s3 =	sadd.s32 $0x88, s3;
	s6 =	simm.s32 @!p1 $0x1082;
	[sflag:s4] =	ssyncset.s32 $0xFFFFF086  }
0x25: {  	[simem:s6], [sflag:s4] =	dma.local [hbm:s3], $0xF7A  }
0x26: {  	[smem:$0x3F9F] =	sst s1;
	(tag) =	ssettag s2;
	_ =	strace s9  }
0x27: {  	s1 =	sld [smem:$0x3FAF]  }
0x28: {  	s2 =	sld [smem:$0x3FB0]  }
0x29: {  	s4 =	sld [smem:$0x3FB2]  }
0x2a: {  	p0 =	seq.s32 s5, $0x0;
	s5 =	sld [smem:$0x3FB3]  }
0x2b: {  	s6 =	sld [smem:$0x3FB4]  }
0x2c: {  	s7 =	sld [smem:$0x3FB5]  }
0x2d: {  	s3 =	simm.s32 $0x108;
	s8 =	sld [smem:$0x3FB6]  }
0x2e: {  	s3 =	simm.s32 @!p0 $0x1082;
	s9 =	sld [smem:$0x3FB7]  }
0x2f: {  	lr =	sadd.s32 s0, s3;
	s0 =	sld [smem:$0x3FAE]  }
0x30: {  	s3 =	sld [smem:$0x3FB1]  }
0x31: {  	[smem:$0x3FBA] =	sst s10  }
0x32: {  	s10 =	sld [smem:$0x3FB8];
	_ =	sdelay $0x3  }
0x33: {  	p0 =	seq.s32 s10, $0x1;
	s10 =	sld [smem:$0x3FBA];
	_ =	sdelay $0x3  }
0x34: {  	[smem:$0x3FBA] =	sst s10  }
0x35: {  	s10 =	sld [smem:$0x3FB9];
	_ =	sdelay $0x3  }
0x36: {  	p1 =	seq.s32 s10, $0x1;
	s10 =	sld [smem:$0x3FBA];
	_ =	sdelay $0x3  }
0x37: {  	[smem:$0x3FBA] =	sst s10  }
0x38: {  	s10 =	sld [smem:$0x3FBB]  }
0x39: {  	_ = 	snop;
	(pc) =	sbr.ind lr, $3  }
0x3a: {  	_ = 	snop  }
0x3b: {  	_ = 	snop  }
0x3c: {  	p2 =	seq.s32 s10, $0x1;
	s10 =	sld [smem:$0x3FBA]  }
0x3d: {  	_ =	shalt  }
0x3e: {  	_ =	shalt  }
0x3f: {  	_ =	shalt  }
0x40: {  	_ =	shalt  }
0x41: {  	_ =	shalt  }
0x42: {  	_ =	shalt  }
0x43: {  	_ =	shalt  }
0x44: {  	_ =	shalt  }
0x45: {  	_ =	shalt  }
0x46: {  	_ =	shalt  }
0x47: {  	_ =	shalt  }
0x48: {  	_ =	shalt  }
0x49: {  	_ =	shalt  }
0x4a: {  	_ =	shalt  }
0x4b: {  	_ =	shalt  }
0x4c: {  	_ =	shalt  }
0x4d: {  	_ =	shalt  }
0x4e: {  	_ =	shalt  }
0x4f: {  	_ =	shalt  }
0x50: {  	_ =	shalt  }
0x51: {  	_ =	shalt  }
0x52: {  	_ =	shalt  }
0x53: {  	_ =	shalt  }
0x54: {  	_ =	shalt  }
0x55: {  	_ =	shalt  }
0x56: {  	_ =	shalt  }
0x57: {  	_ =	shalt  }
0x58: {  	_ =	shalt  }
0x59: {  	_ =	shalt  }
0x5a: {  	_ =	shalt  }
0x5b: {  	_ =	shalt  }
0x5c: {  	_ =	shalt  }
0x5d: {  	_ =	shalt  }
0x5e: {  	_ =	shalt  }
0x5f: {  	_ =	shalt  }
0x60: {  	_ =	shalt  }
0x61: {  	_ =	shalt  }
0x62: {  	_ =	shalt  }
0x63: {  	_ =	shalt  }
0x64: {  	_ =	shalt  }
0x65: {  	_ =	shalt  }
0x66: {  	_ =	shalt  }
0x67: {  	_ =	shalt  }
0x68: {  	_ =	shalt  }
0x69: {  	_ =	shalt  }
0x6a: {  	_ =	shalt  }
0x6b: {  	_ =	shalt  }
0x6c: {  	_ =	shalt  }
0x6d: {  	_ =	shalt  }
0x6e: {  	_ =	shalt  }
0x6f: {  	_ =	shalt  }
0x70: {  	_ =	shalt  }
0x71: {  	_ =	shalt  }
0x72: {  	_ =	shalt  }
0x73: {  	_ =	shalt  }
0x74: {  	_ =	shalt  }
0x75: {  	_ =	shalt  }
0x76: {  	_ =	shalt  }
0x77: {  	_ =	shalt  }
0x78: {  	_ =	shalt  }
0x79: {  	_ =	shalt  }
0x7a: {  	_ =	shalt  }
0x7b: {  	_ =	shalt  }
0x7c: {  	_ =	shalt  }
0x7d: {  	_ =	shalt  }
0x7e: {  	_ =	shalt  }
0x7f: {  	_ =	shalt  }
0x80: {  	_ =	shalt  }
0x81: {  	_ =	shalt  }
0x82: {  	_ =	shalt  }
0x83: {  	_ =	shalt  }
0x84: {  	_ =	shalt  }
0x85: {  	_ =	shalt  }
0x86: {  	_ =	shalt  }
0x87: {  	_ =	shalt  }
.Lfunc_end0:
.L_simem_size_0:
called_computation_lowered:
.L_overlay_start_0:
0x88: {  	s2 =	sld [smem:$0x3FD9]  }
0x89: {  	s3 =	sld [smem:$0x3FFE];
	_ =	sdelay $0x1  }
0x8a: {  	s1 =	srdreg.scid  }
0x8b: {  	s0 =	sand.u32 $0x1, s1  }
0x8c: {  	s17 =	sshll.u32 s0, $0xA;
	s2 =	sadd.s32 s3, s2  }
0x8d: {  	s2 =	sadd.s32 s2, s17  }
0x8e: {  	[smem:$0x3FC6] =	sst s2  }
0x8f: {  	_ = 	snop  }
0x90: {  	s2 =	sld [smem:$0x3FC8];
	(tm) =	ssettm $0x1  }
0x91: {  	s18 =	sld [smem:$0x3FFB];
	_ =	sdelay $0x3  }
0x92: {  	_ =	strace s18  }
0x93: {  	s3 =	sld [smem:$0x3FFC];
	_ =	sdelay $0x3  }
0x94: {  	_ =	strace s3  }
0x95: {  	s3 =	sld [smem:$0x3FFD];
	_ =	sdelay $0x3  }
0x96: {  	_ =	strace s3  }
0x97: {  	_ =	strace $0x8FFFFFFF  }
0x98: {  	s19 =	sld [smem:$0x3FDB];
	_ =	sdelay $0x1  }
0x99: {  	s4 =	simm.s32 $_scs_section_size  }
0x9a: {  	s5 =	simm.s32 $_size__tile_overlayer_lowered;
	s6 =	simm.s32 $_tile_overlayer_lowered  }
0x9b: {  	s22 =	simm.s32 $0x1BFF;
	s21 =	sshll.u32 s6, $0x1;
	s3 =	sadd.s32 s4, s19  }
0x9c: {  	s7 =	simm.s32 $0x0;
	s20 =	sshll.u32 s5, $0x1;
	s5 =	sadd.s32 s21, s3  }
0x9d: {  	[timem:s7], [sflag:s22] =	dma.local [hbm:s5], s20  }
0x9e: {  	_ =	swait.ge [sflag:s22], s20  }
0x9f: {  	s4 =	ssub.s32 $0x0, s20;
	[sflag:s22] =	ssyncset.done $0x0  }
0xa0: {  	[sflag:s22] =	ssyncadd.s32 s4;
	_ =	sdelay $0x1  }
0xa1: {  	s23 =	simm.s32 $0x1B8B  }
0xa2: {  	_ =	swait.ge [sflag:s23], $0x1  }
0xa3: {  	[sflag:s23] =	ssyncset.done $0x0  }
0xa4: {  	s25 =	simm.s32 $0x1B8E;
	s24 =	sld [smem:$0x3FFE];
	[sflag:s23] =	ssyncadd.s32 $0xFFFFFFFF  }
0xa5: {  	s26 =	simm.s32 $execute0_lowered;
	[smem:$0x3FD2] =	sst s25  }
0xa6: {  	s5 =	sshll.u32 s26, $0x1;
	_ =	strace $0x80000046;
	[dreg:$0x1] =	wrdreg $0xFFFFFFFF  }
0xa7: {  	s28 =	simm.s32 $_size_execute0_lowered;
	s3 =	sadd.s32 s3, s5;
	[dreg:$0x0] =	wrdreg $0x0  }
0xa8: {  	s5 =	sshll.u32 s28, $0x1;
	[dreg:$0x2] =	wrdreg s3  }
0xa9: {  	[dreg:$0x3] =	wrdreg s5  }
0xaa: {  	[dreg:$0x4] =	wrdreg $0xC0  }
0xab: {  	_ =	task [dreg:s7], $0x5FFFF  }
0xac: {  	[dreg:$0x1] =	wrdreg $0xFFFFFFFF  }
0xad: {  	[dreg:$0x0] =	wrdreg $0x60  }
0xae: {  	[dreg:$0x2] =	wrdreg s2  }
0xaf: {  	[dreg:$0x3] =	wrdreg s24  }
0xb0: {  	[dreg:$0x4] =	wrdreg $0x9  }
0xb1: {  	_ =	task.clear_ibuf [dreg:s7], $0x5FFFF;
	_ =	strace $0x90000046  }
0xb2: {  	s29 =	simm.s32 $0x9;
	_ =	strace $0x80000048  }
0xb3: {  	_ =	swait.ge [sflag:s29], $0x1  }
0xb4: {  	[sflag:s29] =	ssyncadd.s32 $0xFFFFFFFF  }
0xb5: {  	_ =	strace $0x90000048  }
0xb6: {  	_ =	sfence  }
0xb7: {  	s30 =	sld [smem:$0x0];
	_ =	sdelay $0x2  }
0xb8: {  	s31 =	sshll.u32 s1, $0xD;
	s1 =	sshrl.u32 s1, $0x2  }
0xb9: {  	s3 =	sand.u32 $0x4000, s31;
	s1 =	sadd.s32 s1, s30  }
0xba: {  	s0 =	sor.u32 s3, s0;
	s1 =	sshll.u32 s1, $0x11  }
0xbb: {  	s0 =	sor.u32 s1, s0  }
0xbc: {  	s0 =	sadd.s32 $0x8F2B, s0  }
0xbd: {  	[sflag:s0] =	ssyncadd.remote.s32 $0x1  }
0xbe: {  	_ =	sfence.sel $0xFFFF  }
0xbf: {  	[dreg:$0x0] =	wrdreg $0xFFFFFFFF;
	(pc) =	sbr.abs _section_cstart, $3  }
0xc0: {  	[dreg:$0x1] =	wrdreg $0xFFFFFFFF  }
0xc1: {  	_ =	task.clear_ibuf [dreg:s7], $0x2FFFF;
	_ =	strace $0x9FFFFFFF  }
0xc2: {  	(tm) =	ssettm $0x7FFFFFFF  }
0xc3: {  	_ =	shalt  }
tec
execute0_lowered:
.L_overlay_start_1:
0x0: {  	(tag) =	ssettag $0x1  }
0x1: {  	s1 =	srdreg.scid;
	s2 =	rddreg [dreg:$0x0]  }
0x2: {  	s0 =	stileid.u32;
	s4 =	rddreg [dreg:$0x1];
	s19 =	simm.s32 $0x900  }
0x3: {  	s20 =	simm.s32 $0x1100;
	s21 =	simm.s32 $0x1900;
	s23 =	simm.s32 $0x2100  }
0x4: {  	s24 =	simm.s32 $0x2900;
	s25 =	simm.s32 $0x3100;
	s26 =	simm.s32 $0x3900  }
0x5: {  	s8 =	simm.s32 $0x4900;
	s9 =	simm.s32 $0x5100;
	s10 =	simm.s32 $0x5900  }
0x6: {  	s11 =	simm.s32 $0x6100;
	s12 =	simm.s32 $0x6900;
	s13 =	simm.s32 $0x7100  }
0x7: {  	s14 =	simm.s32 $0x7900;
	s1 =	sand.u32 $0x1, s1;
	s3 =	sshll.u32 s0, $0x1  }
0x8: {  	s15 =	simm.s32 $0x8100;
	s5 =	sor.u32 s1, s3;
	s3 =	simm.s32 $0x0  }
0x9: {  	s16 =	simm.s32 $0x8900;
	s17 =	simm.s32 $0x9100;
	[smem:$0x7FF] =	sst s3  }
0xa: {  	s28 =	simm.s32 $0xE100;
	_ =	strace $0x80000047;
	[dreg:$0x5] =	wrdreg s19  }
0xb: {  	s29 =	simm.s32 $0xE900;
	s30 =	simm.s32 $0xF100;
	[dreg:$0x6] =	wrdreg s20  }
0xc: {  	s31 =	simm.s32 $0xF900;
	s1 =	ssub.s32 $0x2, s1;
	[dreg:$0x7] =	wrdreg s21  }
0xd: {  	s6 =	sshll.u32 s5, $0x5;
	s5 =	sshll.u32 s5, $0xD;
	[dreg:$0x8] =	wrdreg s23  }
0xe: {  	s22 =	sshrl.u32 s1, $0x1;
	s6 =	sadd.s32 s6, s4;
	[dreg:$0x9] =	wrdreg s24  }
0xf: {  	s4 =	sadd.s32 s5, s4;
	s1 =	ssub.s32 s1, s22;
	[dreg:$0xa] =	wrdreg s25  }
0x10: {  	s5 =	simm.s32 $0x2;
	[dreg:$0xb] =	wrdreg s26;
	s19 =	simm.s32 $0xA100  }
0x11: {  	s20 =	simm.s32 $0xA900;
	s21 =	simm.s32 $0xB100;
	s22 =	simm.s32 $0xB900  }
0x12: {  	s23 =	simm.s32 $0xC100;
	s24 =	simm.s32 $0xC900;
	s18 =	sadd.s32 $0xC00, s6  }
0x13: {  	v2 =	vlaneseq.u32;
	s25 =	simm.s32 $0xD100;
	s4 =	sadd.s32 $0x1000, s4;
	[dreg:$0x3] =	wrdreg s18  }
0x14: {  	vm0 =	vmmov $0xffff;
	v1 =	vshrl.u32 v2, $0x3;
	s26 =	simm.s32 $0xD900;
	s6 =	simm.s32 $0x100;
	[dreg:$0x4] =	wrdreg s4  }
0x15: {  	v0 =	vand.u32 $0x7, v2;
	v2 =	vor.u32 $0x8, v2;
	v1 =	vmul.u32 $0x8, v1;
	s4 =	smax.u32 s1, $0x1;
	s18 =	simm.s32 $0x9900;
	s1 =	simm.s32 $0x1  }
.LBB2_1:
0x16: {  	s0 =	rddreg [dreg:$0x3]  }
0x17: {  	[tilespmem:s3], [sflag:$0x2] =	stream.linear.gather [hbm4b:s0+s3], $0x100, $0x38;
	[tilespmem:$0x10100] =	vst v63  }
0x18: {  	_ =	swait.ge [sflag:s5], $0x100  }
0x19: {  	[sflag:s5] =	ssyncset.done $0x0  }
0x1a: {  	[sflag:s5] =	ssyncadd.s32 $0xFFFFFF00  }
0x1b: {  	v3 =	vld [tilespmem:$0x0];
	_ =	sdelay $0x4  }
0x1c: {  	v4 =	vshll.u32 v3, $0x1  }
0x1d: {  	v3 =	vand.u32 $0x7, v3;
	v4 =	vand.u32 $0xFFFFFFF0, v4  }
0x1e: {  	v3 =	vor.u32 v3, v4  }
0x1f: {  	v4 =	vperm.xlane v3, v0;
	_ =	sdelay $0x1  }
0x20: {  	v3 =	vperm.xlane v3, v2;
	v4 =	vadd.s32 v1, v4;
	_ =	sdelay $0x1  }
0x21: {  	v3 =	vadd.s32 v1, v3;
	_ =	sdelay $0x2  }
0x22: {  	[tilespmem:s6], [sflag:$0x1] =	stream.indirect_vreg.gather [hbm4b:s2+s3], $0x80, v4, vm0, $0xb8;
	[tilespmem:$0x10100] =	vst v63  }
0x23: {  	s7 =	rddreg [dreg:$0x5]  }
0x24: {  	[tilespmem:s7], [sflag:$0x1] =	stream.indirect_vreg.gather [hbm4b:s2+s3], $0x80, v3, vm0, $0xb8;
	[tilespmem:$0x10100] =	vst v63  }
0x25: {  	v3 =	vld [tilespmem:$0x10];
	_ =	sdelay $0x4  }
0x26: {  	v49 =	vshll.u32 v3, $0x1  }
0x27: {  	v3 =	vand.u32 $0x7, v3;
	v4 =	vand.u32 $0xFFFFFFF0, v49  }
0x28: {  	v3 =	vor.u32 v3, v4  }
0x29: {  	v4 =	vperm.xlane v3, v0;
	_ =	sdelay $0x1  }
0x2a: {  	v3 =	vperm.xlane v3, v2;
	v4 =	vadd.s32 v1, v4;
	_ =	sdelay $0x1  }
0x2b: {  	v3 =	vadd.s32 v1, v3;
	_ =	sdelay $0x1  }
0x2c: {  	s0 =	rddreg [dreg:$0x6]  }
0x2d: {  	[tilespmem:s0], [sflag:$0x1] =	stream.indirect_vreg.gather [hbm4b:s2+s3], $0x80, v4, vm0, $0xb8;
	[tilespmem:$0x10100] =	vst v63  }
0x2e: {  	s7 =	rddreg [dreg:$0x7]  }
0x2f: {  	[tilespmem:s7], [sflag:$0x1] =	stream.indirect_vreg.gather [hbm4b:s2+s3], $0x80, v3, vm0, $0xb8;
	[tilespmem:$0x10100] =	vst v63  }
0x30: {  	v3 =	vld [tilespmem:$0x20];
	_ =	sdelay $0x4  }
0x31: {  	v50 =	vshll.u32 v3, $0x1  }
0x32: {  	v3 =	vand.u32 $0x7, v3;
	v4 =	vand.u32 $0xFFFFFFF0, v50  }
0x33: {  	v3 =	vor.u32 v3, v4  }
0x34: {  	v4 =	vperm.xlane v3, v0;
	_ =	sdelay $0x1  }
0x35: {  	v3 =	vperm.xlane v3, v2;
	v4 =	vadd.s32 v1, v4;
	_ =	sdelay $0x1  }
0x36: {  	v3 =	vadd.s32 v1, v3;
	_ =	sdelay $0x1  }
0x37: {  	s0 =	rddreg [dreg:$0x8]  }
0x38: {  	[tilespmem:s0], [sflag:$0x1] =	stream.indirect_vreg.gather [hbm4b:s2+s3], $0x80, v4, vm0, $0xb8;
	[tilespmem:$0x10100] =	vst v63  }
0x39: {  	s7 =	rddreg [dreg:$0x9]  }
0x3a: {  	[tilespmem:s7], [sflag:$0x1] =	stream.indirect_vreg.gather [hbm4b:s2+s3], $0x80, v3, vm0, $0xb8;
	[tilespmem:$0x10100] =	vst v63  }
0x3b: {  	v3 =	vld [tilespmem:$0x30];
	_ =	sdelay $0x4  }
0x3c: {  	v51 =	vshll.u32 v3, $0x1  }
0x3d: {  	v3 =	vand.u32 $0x7, v3;
	v4 =	vand.u32 $0xFFFFFFF0, v51  }
0x3e: {  	v3 =	vor.u32 v3, v4  }
0x3f: {  	v4 =	vperm.xlane v3, v0;
	_ =	sdelay $0x1  }
0x40: {  	v3 =	vperm.xlane v3, v2;
	v4 =	vadd.s32 v1, v4;
	_ =	sdelay $0x1  }
0x41: {  	v3 =	vadd.s32 v1, v3;
	_ =	sdelay $0x1  }
0x42: {  	s0 =	rddreg [dreg:$0xa]  }
0x43: {  	[tilespmem:s0], [sflag:$0x1] =	stream.indirect_vreg.gather [hbm4b:s2+s3], $0x80, v4, vm0, $0xb8;
	[tilespmem:$0x10100] =	vst v63  }
0x44: {  	s7 =	rddreg [dreg:$0xb]  }
0x45: {  	[tilespmem:s7], [sflag:$0x1] =	stream.indirect_vreg.gather [hbm4b:s2+s3], $0x80, v3, vm0, $0xb8;
	[tilespmem:$0x10100] =	vst v63  }
0x46: {  	v3 =	vld [tilespmem:$0x40];
	_ =	sdelay $0x4  }
0x47: {  	v52 =	vshll.u32 v3, $0x1  }
0x48: {  	v3 =	vand.u32 $0x7, v3;
	v4 =	vand.u32 $0xFFFFFFF0, v52  }
0x49: {  	v3 =	vor.u32 v3, v4  }
0x4a: {  	v4 =	vperm.xlane v3, v0;
	_ =	sdelay $0x1  }
0x4b: {  	v3 =	vperm.xlane v3, v2;
	v4 =	vadd.s32 v1, v4;
	_ =	sdelay $0x1  }
0x4c: {  	v3 =	vadd.s32 v1, v3;
	_ =	sdelay $0x1  }
0x4d: {  	s7 =	simm.s32 $0x4100  }
0x4e: {  	[tilespmem:s7], [sflag:$0x1] =	stream.indirect_vreg.gather [hbm4b:s2+s3], $0x80, v4, vm0, $0xb8;
	[tilespmem:$0x10100] =	vst v63  }
0x4f: {  	_ = 	snop  }
0x50: {  	[tilespmem:s8], [sflag:$0x1] =	stream.indirect_vreg.gather [hbm4b:s2+s3], $0x80, v3, vm0, $0xb8;
	[tilespmem:$0x10100] =	vst v63  }
0x51: {  	v3 =	vld [tilespmem:$0x50];
	_ =	sdelay $0x4  }
0x52: {  	v53 =	vshll.u32 v3, $0x1  }
0x53: {  	v3 =	vand.u32 $0x7, v3;
	v4 =	vand.u32 $0xFFFFFFF0, v53  }
0x54: {  	v3 =	vor.u32 v3, v4  }
0x55: {  	v4 =	vperm.xlane v3, v0;
	_ =	sdelay $0x1  }
0x56: {  	v3 =	vperm.xlane v3, v2;
	v4 =	vadd.s32 v1, v4;
	_ =	sdelay $0x1  }
0x57: {  	v3 =	vadd.s32 v1, v3;
	_ =	sdelay $0x2  }
0x58: {  	[tilespmem:s9], [sflag:$0x1] =	stream.indirect_vreg.gather [hbm4b:s2+s3], $0x80, v4, vm0, $0xb8;
	[tilespmem:$0x10100] =	vst v63  }
0x59: {  	_ = 	snop  }
0x5a: {  	[tilespmem:s10], [sflag:$0x1] =	stream.indirect_vreg.gather [hbm4b:s2+s3], $0x80, v3, vm0, $0xb8;
	[tilespmem:$0x10100] =	vst v63  }
0x5b: {  	v3 =	vld [tilespmem:$0x60];
	_ =	sdelay $0x4  }
0x5c: {  	v54 =	vshll.u32 v3, $0x1  }
0x5d: {  	v3 =	vand.u32 $0x7, v3;
	v4 =	vand.u32 $0xFFFFFFF0, v54  }
0x5e: {  	v3 =	vor.u32 v3, v4  }
0x5f: {  	v4 =	vperm.xlane v3, v0;
	_ =	sdelay $0x1  }
0x60: {  	v3 =	vperm.xlane v3, v2;
	v4 =	vadd.s32 v1, v4;
	_ =	sdelay $0x1  }
0x61: {  	v3 =	vadd.s32 v1, v3;
	_ =	sdelay $0x2  }
0x62: {  	[tilespmem:s11], [sflag:$0x1] =	stream.indirect_vreg.gather [hbm4b:s2+s3], $0x80, v4, vm0, $0xb8;
	[tilespmem:$0x10100] =	vst v63  }
0x63: {  	_ = 	snop  }
0x64: {  	[tilespmem:s12], [sflag:$0x1] =	stream.indirect_vreg.gather [hbm4b:s2+s3], $0x80, v3, vm0, $0xb8;
	[tilespmem:$0x10100] =	vst v63  }
0x65: {  	v3 =	vld [tilespmem:$0x70];
	_ =	sdelay $0x4  }
0x66: {  	v55 =	vshll.u32 v3, $0x1  }
0x67: {  	v3 =	vand.u32 $0x7, v3;
	v4 =	vand.u32 $0xFFFFFFF0, v55  }
0x68: {  	v3 =	vor.u32 v3, v4  }
0x69: {  	v4 =	vperm.xlane v3, v0;
	_ =	sdelay $0x1  }
0x6a: {  	v3 =	vperm.xlane v3, v2;
	v4 =	vadd.s32 v1, v4;
	_ =	sdelay $0x1  }
0x6b: {  	v3 =	vadd.s32 v1, v3;
	_ =	sdelay $0x2  }
0x6c: {  	[tilespmem:s13], [sflag:$0x1] =	stream.indirect_vreg.gather [hbm4b:s2+s3], $0x80, v4, vm0, $0xb8;
	[tilespmem:$0x10100] =	vst v63  }
0x6d: {  	_ = 	snop  }
0x6e: {  	[tilespmem:s14], [sflag:$0x1] =	stream.indirect_vreg.gather [hbm4b:s2+s3], $0x80, v3, vm0, $0xb8;
	[tilespmem:$0x10100] =	vst v63  }
0x6f: {  	v3 =	vld [tilespmem:$0x80];
	_ =	sdelay $0x4  }
0x70: {  	v56 =	vshll.u32 v3, $0x1  }
0x71: {  	v3 =	vand.u32 $0x7, v3;
	v4 =	vand.u32 $0xFFFFFFF0, v56  }
0x72: {  	v3 =	vor.u32 v3, v4  }
0x73: {  	v4 =	vperm.xlane v3, v0;
	_ =	sdelay $0x1  }
0x74: {  	v3 =	vperm.xlane v3, v2;
	v4 =	vadd.s32 v1, v4;
	_ =	sdelay $0x1  }
0x75: {  	v3 =	vadd.s32 v1, v3;
	_ =	sdelay $0x2  }
0x76: {  	[tilespmem:s15], [sflag:$0x1] =	stream.indirect_vreg.gather [hbm4b:s2+s3], $0x80, v4, vm0, $0xb8;
	[tilespmem:$0x10100] =	vst v63  }
0x77: {  	_ = 	snop  }
0x78: {  	[tilespmem:s16], [sflag:$0x1] =	stream.indirect_vreg.gather [hbm4b:s2+s3], $0x80, v3, vm0, $0xb8;
	[tilespmem:$0x10100] =	vst v63  }
0x79: {  	v3 =	vld [tilespmem:$0x90];
	_ =	sdelay $0x4  }
0x7a: {  	v57 =	vshll.u32 v3, $0x1  }
0x7b: {  	v3 =	vand.u32 $0x7, v3;
	v4 =	vand.u32 $0xFFFFFFF0, v57  }
0x7c: {  	v3 =	vor.u32 v3, v4  }
0x7d: {  	v4 =	vperm.xlane v3, v0;
	_ =	sdelay $0x1  }
0x7e: {  	v3 =	vperm.xlane v3, v2;
	v4 =	vadd.s32 v1, v4;
	_ =	sdelay $0x1  }
0x7f: {  	v3 =	vadd.s32 v1, v3;
	_ =	sdelay $0x2  }
0x80: {  	[tilespmem:s17], [sflag:$0x1] =	stream.indirect_vreg.gather [hbm4b:s2+s3], $0x80, v4, vm0, $0xb8;
	[tilespmem:$0x10100] =	vst v63  }
0x81: {  	_ = 	snop  }
0x82: {  	[tilespmem:s18], [sflag:$0x1] =	stream.indirect_vreg.gather [hbm4b:s2+s3], $0x80, v3, vm0, $0xb8;
	[tilespmem:$0x10100] =	vst v63  }
0x83: {  	v3 =	vld [tilespmem:$0xA0];
	_ =	sdelay $0x4  }
0x84: {  	v58 =	vshll.u32 v3, $0x1  }
0x85: {  	v3 =	vand.u32 $0x7, v3;
	v4 =	vand.u32 $0xFFFFFFF0, v58  }
0x86: {  	v3 =	vor.u32 v3, v4  }
0x87: {  	v4 =	vperm.xlane v3, v0;
	_ =	sdelay $0x1  }
0x88: {  	v3 =	vperm.xlane v3, v2;
	v4 =	vadd.s32 v1, v4;
	_ =	sdelay $0x1  }
0x89: {  	v3 =	vadd.s32 v1, v3;
	_ =	sdelay $0x2  }
0x8a: {  	[tilespmem:s19], [sflag:$0x1] =	stream.indirect_vreg.gather [hbm4b:s2+s3], $0x80, v4, vm0, $0xb8;
	[tilespmem:$0x10100] =	vst v63  }
0x8b: {  	_ = 	snop  }
0x8c: {  	[tilespmem:s20], [sflag:$0x1] =	stream.indirect_vreg.gather [hbm4b:s2+s3], $0x80, v3, vm0, $0xb8;
	[tilespmem:$0x10100] =	vst v63  }
0x8d: {  	v3 =	vld [tilespmem:$0xB0];
	_ =	sdelay $0x4  }
0x8e: {  	v59 =	vshll.u32 v3, $0x1  }
0x8f: {  	v3 =	vand.u32 $0x7, v3;
	v4 =	vand.u32 $0xFFFFFFF0, v59  }
0x90: {  	v3 =	vor.u32 v3, v4  }
0x91: {  	v4 =	vperm.xlane v3, v0;
	_ =	sdelay $0x1  }
0x92: {  	v3 =	vperm.xlane v3, v2;
	v4 =	vadd.s32 v1, v4;
	_ =	sdelay $0x1  }
0x93: {  	v3 =	vadd.s32 v1, v3;
	_ =	sdelay $0x2  }
0x94: {  	[tilespmem:s21], [sflag:$0x1] =	stream.indirect_vreg.gather [hbm4b:s2+s3], $0x80, v4, vm0, $0xb8;
	[tilespmem:$0x10100] =	vst v63  }
0x95: {  	_ = 	snop  }
0x96: {  	[tilespmem:s22], [sflag:$0x1] =	stream.indirect_vreg.gather [hbm4b:s2+s3], $0x80, v3, vm0, $0xb8;
	[tilespmem:$0x10100] =	vst v63  }
0x97: {  	v3 =	vld [tilespmem:$0xC0];
	_ =	sdelay $0x4  }
0x98: {  	v60 =	vshll.u32 v3, $0x1  }
0x99: {  	v3 =	vand.u32 $0x7, v3;
	v4 =	vand.u32 $0xFFFFFFF0, v60  }
0x9a: {  	v3 =	vor.u32 v3, v4  }
0x9b: {  	v4 =	vperm.xlane v3, v0;
	_ =	sdelay $0x1  }
0x9c: {  	v3 =	vperm.xlane v3, v2;
	v4 =	vadd.s32 v1, v4;
	_ =	sdelay $0x1  }
0x9d: {  	v3 =	vadd.s32 v1, v3;
	_ =	sdelay $0x2  }
0x9e: {  	[tilespmem:s23], [sflag:$0x1] =	stream.indirect_vreg.gather [hbm4b:s2+s3], $0x80, v4, vm0, $0xb8;
	[tilespmem:$0x10100] =	vst v63  }
0x9f: {  	_ = 	snop  }
0xa0: {  	[tilespmem:s24], [sflag:$0x1] =	stream.indirect_vreg.gather [hbm4b:s2+s3], $0x80, v3, vm0, $0xb8;
	[tilespmem:$0x10100] =	vst v63  }
0xa1: {  	v3 =	vld [tilespmem:$0xD0];
	_ =	sdelay $0x4  }
0xa2: {  	v61 =	vshll.u32 v3, $0x1  }
0xa3: {  	v3 =	vand.u32 $0x7, v3;
	v4 =	vand.u32 $0xFFFFFFF0, v61  }
0xa4: {  	v3 =	vor.u32 v3, v4  }
0xa5: {  	v4 =	vperm.xlane v3, v0;
	_ =	sdelay $0x1  }
0xa6: {  	v3 =	vperm.xlane v3, v2;
	v4 =	vadd.s32 v1, v4;
	_ =	sdelay $0x1  }
0xa7: {  	v3 =	vadd.s32 v1, v3;
	_ =	sdelay $0x2  }
0xa8: {  	[tilespmem:s25], [sflag:$0x1] =	stream.indirect_vreg.gather [hbm4b:s2+s3], $0x80, v4, vm0, $0xb8;
	[tilespmem:$0x10100] =	vst v63  }
0xa9: {  	_ = 	snop  }
0xaa: {  	[tilespmem:s26], [sflag:$0x1] =	stream.indirect_vreg.gather [hbm4b:s2+s3], $0x80, v3, vm0, $0xb8;
	[tilespmem:$0x10100] =	vst v63  }
0xab: {  	v3 =	vld [tilespmem:$0xE0];
	_ =	sdelay $0x4  }
0xac: {  	v62 =	vshll.u32 v3, $0x1  }
0xad: {  	v3 =	vand.u32 $0x7, v3;
	v4 =	vand.u32 $0xFFFFFFF0, v62  }
0xae: {  	v3 =	vor.u32 v3, v4  }
0xaf: {  	v4 =	vperm.xlane v3, v0;
	_ =	sdelay $0x1  }
0xb0: {  	v3 =	vperm.xlane v3, v2;
	v4 =	vadd.s32 v1, v4;
	_ =	sdelay $0x1  }
0xb1: {  	v3 =	vadd.s32 v1, v3;
	_ =	sdelay $0x2  }
0xb2: {  	[tilespmem:s28], [sflag:$0x1] =	stream.indirect_vreg.gather [hbm4b:s2+s3], $0x80, v4, vm0, $0xb8;
	[tilespmem:$0x10100] =	vst v63  }
0xb3: {  	_ = 	snop  }
0xb4: {  	[tilespmem:s29], [sflag:$0x1] =	stream.indirect_vreg.gather [hbm4b:s2+s3], $0x80, v3, vm0, $0xb8;
	[tilespmem:$0x10100] =	vst v63  }
0xb5: {  	v3 =	vld [tilespmem:$0xF0];
	_ =	sdelay $0x4  }
0xb6: {  	v63 =	vshll.u32 v3, $0x1  }
0xb7: {  	v3 =	vand.u32 $0x7, v3;
	v4 =	vand.u32 $0xFFFFFFF0, v63  }
0xb8: {  	v3 =	vor.u32 v3, v4  }
0xb9: {  	v4 =	vperm.xlane v3, v0;
	_ =	sdelay $0x1  }
0xba: {  	v3 =	vperm.xlane v3, v2;
	v4 =	vadd.s32 v1, v4;
	_ =	sdelay $0x1  }
0xbb: {  	v3 =	vadd.s32 v1, v3;
	_ =	sdelay $0x2  }
0xbc: {  	[tilespmem:s30], [sflag:$0x1] =	stream.indirect_vreg.gather [hbm4b:s2+s3], $0x80, v4, vm0, $0xb8;
	[tilespmem:$0x10100] =	vst v63  }
0xbd: {  	_ = 	snop  }
0xbe: {  	[tilespmem:s31], [sflag:$0x1] =	stream.indirect_vreg.gather [hbm4b:s2+s3], $0x80, v3, vm0, $0xb8;
	[tilespmem:$0x10100] =	vst v63  }
0xbf: {  	_ =	swait.ge [sflag:s1], $0x8000  }
0xc0: {  	[sflag:s1] =	ssyncset.done $0x0  }
0xc1: {  	[sflag:s1] =	ssyncadd.s32 $0xFFFF8000  }
0xc2: {  	_ =	swait.ge [sflag:s1], $0x8000  }
0xc3: {  	p0 =	sne.s32 s4, $0x1;
	[sflag:s1] =	ssyncset.done $0x0  }
.Ltmp0:
0xc4: {  	s7 =	rddreg [dreg:$0x4];
	[sflag:s1] =	ssyncadd.s32 $0xFFFF8000;
	(pc) =	sbr.rel @p0 .LBB2_1-.Ltmp0, $4  }
0xc5: {  	[hbm4b:s7+s3] =	stream.linear.scatter [tilespmem:s6], [sflag:$0x2], $0x10000, $0x38;
	[tilespmem:$0x10100] =	vst v63  }
0xc6: {  	_ =	swait.ge [sflag:s5], $0x10000  }
0xc7: {  	[sflag:s5] =	ssyncset.done $0x0  }
0xc8: {  	s4 =	sadd.s32 $0xFFFFFFFF, s4;
	[sflag:s5] =	ssyncadd.s32 $0xFFFF0000  }
0xc9: {  	_ =	sfence.sel $0x180000  }
0xca: {  	[bflag:$0x0] =	sbarrier.arrive $0xFFFF  }
0xcb: {  	_ =	strace $0x90000047  }
0xcc: {  	s0 =	stileid.u32;
	[bflag:$0x2] =	sbarrier.arrive $0xFFFF  }
0xcd: {  	p0 =	sne.s32 s0, $0x0;
	s0 =	rddreg [dreg:$0x2]  }
0xce: {  	s0 =	sadd.s32 @!p0 $0x100000, s0  }
0xcf: {  	[sflag:s0] =	ssyncadd.tile.s32 @!p0 $0x1;
	_ =	shalt  }
.Lfunc_end2:
_tile_overlayer_lowered:
.L_overlay_start_2:
0xd0: {  	(tag) =	ssettag $0x2  }
0xd1: {  	s0 =	rddreg [dreg:$0x0];
	s2 =	stileid.u32  }
0xd2: {  	s1 =	rddreg [dreg:$0x1];
	p0 =	sne.s32 s2, $0x0  }
0xd3: {  	s3 =	rddreg [dreg:$0x2];
	[bflag:$0x3] =	sbarrier.arrive $0xFFFF;
	s2 =	simm.s32 @!p0 $0x1C02  }
0xd4: {  	[timem:s3], [sflag:s2] =	dma.local @!p0 [hbm:s0], s1  }
0xd5: {  	s0 =	simm.s32 @!p0 $0x2  }
0xd6: {  	_ =	swait.ge @!p0 [sflag:s0], s1  }
0xd7: {  	s1 =	ssub.s32 @!p0 $0x0, s1;
	[sflag:s0] =	ssyncset.done @!p0 $0x0  }
0xd8: {  	[sflag:s0] =	ssyncadd.s32 @!p0 s1  }
0xd9: {  	[bflag:$0x3] =	sbarrier.arrive $0xFFFF  }
0xda: {  	_ =	shalt  }

</sc_bundles>
